<compile_context>
chip_gen: v7x
topology: tpu7x:2x2x1
jax: 0.10.2.dev20260603
libtpu: 0.0.44.dev20260713+nightly
codegen_flags: <defaults>
</compile_context>

<pallas_src>
import functools

import jax
import jax.numpy as jnp
from jax import lax
from jax.experimental import pallas as pl
from jax.experimental.pallas import tpu as pltpu
from jax.experimental.pallas import tpu_sc as plsc

GAMMA_ = 0.99
NEG_INF = float("-inf")
B_ = 128
A_ = 100000

W_ = 8192


def _argmax_body(next_ref, idx_ref, rmax_ref, ridx_ref):
    j = pl.program_id(0)

    @pl.when(j == 0)
    def _init():
        rmax_ref[...] = jnp.full(rmax_ref.shape, NEG_INF, jnp.float32)
        ridx_ref[...] = jnp.zeros(ridx_ref.shape, jnp.int32)

    v = next_ref[...]
    ids = jax.lax.broadcasted_iota(jnp.int32, v.shape, 1)
    valid = (ids + j * W_) < A_
    v = jnp.where(valid, v, NEG_INF)
    bmax = jnp.max(v, axis=1, keepdims=True)
    bidx = jnp.min(jnp.where(v == bmax, ids + j * W_, A_),
                   axis=1, keepdims=True)
    upd = bmax > rmax_ref[...]
    ridx_ref[...] = jnp.where(upd, bidx, ridx_ref[...])
    rmax_ref[...] = jnp.where(upd, bmax, rmax_ref[...])

    @pl.when(j == pl.num_programs(0) - 1)
    def _fin():
        idx_ref[...] = ridx_ref[...]


def _argmax_call(next_q):
    return pl.pallas_call(
        _argmax_body,
        grid=(pl.cdiv(A_, W_),),
        in_specs=[pl.BlockSpec((B_, W_), lambda j: (0, j))],
        out_specs=pl.BlockSpec((B_, 1), lambda j: (0, 0)),
        out_shape=jax.ShapeDtypeStruct((B_, 1), jnp.int32),
        scratch_shapes=[
            pltpu.VMEM((B_, 1), jnp.float32),
            pltpu.VMEM((B_, 1), jnp.int32),
        ],
    )(next_q)


_info = plsc.get_sparse_core_info()
_NC, _NS = _info.num_cores, _info.num_subcores
_NW = _NC * _NS

CW_ = 4992
NCHUNK_ = 10
CHALF_ = CW_ * NCHUNK_
CTAIL_ = A_ - 2 * CHALF_


def _sc_copy_body(q_hbm, y_hbm, b0, b1, tb, rsems, wsems):
    w = lax.axis_index("s") * _NC + lax.axis_index("c")
    g = w % 16
    h = w // 16
    r0 = g * 8
    c0 = h * CHALF_
    bufs = (b0, b1)

    def rd(i):
        return pltpu.make_async_copy(
            q_hbm.at[pl.ds(r0, 8), pl.ds(c0 + i * CW_, CW_)],
            bufs[i % 2], rsems.at[i % 2])

    def wr(i):
        return pltpu.make_async_copy(
            bufs[i % 2],
            y_hbm.at[pl.ds(r0, 8), pl.ds(c0 + i * CW_, CW_)],
            wsems.at[i % 2])

    rd(0).start()
    for i in range(NCHUNK_):
        rd(i).wait()
        wr(i).start()
        if i + 1 < NCHUNK_:
            if i >= 1:
                wr(i - 1).wait()
            rd(i + 1).start()
    wr(NCHUNK_ - 2).wait()
    wr(NCHUNK_ - 1).wait()

    @pl.when(h == 1)
    def _tail():
        cp = pltpu.make_async_copy(
            q_hbm.at[pl.ds(r0, 8), pl.ds(2 * CHALF_, CTAIL_)], tb,
            rsems.at[0])
        cp.start()
        cp.wait()
        cp2 = pltpu.make_async_copy(
            tb, y_hbm.at[pl.ds(r0, 8), pl.ds(2 * CHALF_, CTAIL_)],
            wsems.at[0])
        cp2.start()
        cp2.wait()


_sc_copy = functools.partial(
    pl.kernel,
    out_type=jax.ShapeDtypeStruct((B_, A_), jnp.float32),
    mesh=plsc.VectorSubcoreMesh(core_axis_name="c", subcore_axis_name="s"),
    scratch_types=[
        pltpu.VMEM((8, CW_), jnp.float32),
        pltpu.VMEM((8, CW_), jnp.float32),
        pltpu.VMEM((8, CTAIL_), jnp.float32),
        pltpu.SemaphoreType.DMA((2,)),
        pltpu.SemaphoreType.DMA((2,)),
    ],
)(_sc_copy_body)


def _finish_body(tq_ref, y_in, ba_s, ba_v, a_s, a_v, r_ref, d_ref,
                 y_out, td_ref, loss_ref, tstage, ystage, sems):
    reads = []
    for i in range(B_):
        cb = (ba_s[i, 0] // 128) * 128
        cp = pltpu.make_async_copy(
            tq_ref.at[i, pl.ds(cb, 128)], tstage.at[i], sems.at[i % 8])
        cp.start()
        reads.append(cp)
        ab = (a_s[i, 0] // 128) * 128
        cp2 = pltpu.make_async_copy(
            y_in.at[i, pl.ds(ab, 128)], ystage.at[i], sems.at[i % 8])
        cp2.start()
        reads.append(cp2)
    for cp in reads:
        cp.wait()

    lane = jax.lax.broadcasted_iota(jnp.int32, (B_, 128), 1)
    tmask = lane == (ba_v[...] % 128)
    tval = jnp.sum(jnp.where(tmask, tstage[...], 0.0), axis=1, keepdims=True)
    td = r_ref[...] + (1.0 - d_ref[...]) * GAMMA_ * tval
    amask = lane == (a_v[...] % 128)
    qv = jnp.sum(jnp.where(amask, ystage[...], 0.0), axis=1, keepdims=True)
    ystage[...] = jnp.where(amask, td, ystage[...])
    td_ref[...] = td
    loss_ref[0, 0] = jnp.sum((qv - td) ** 2) * (1.0 / (B_ * A_))

    writes = []
    for i in range(B_):
        ab = (a_s[i, 0] // 128) * 128
        cp = pltpu.make_async_copy(
            ystage.at[i], y_out.at[i, pl.ds(ab, 128)], sems.at[i % 8])
        cp.start()
        writes.append(cp)
    for cp in writes:
        cp.wait()


def _finish_call(target_q, Y, ba, a2, r2, d2):
    return pl.pallas_call(
        _finish_body,
        in_specs=[
            pl.BlockSpec(memory_space=pltpu.MemorySpace.HBM),
            pl.BlockSpec(memory_space=pltpu.MemorySpace.HBM),
            pl.BlockSpec(memory_space=pltpu.MemorySpace.SMEM),
            pl.BlockSpec(memory_space=pltpu.MemorySpace.VMEM),
            pl.BlockSpec(memory_space=pltpu.MemorySpace.SMEM),
            pl.BlockSpec(memory_space=pltpu.MemorySpace.VMEM),
            pl.BlockSpec(memory_space=pltpu.MemorySpace.VMEM),
            pl.BlockSpec(memory_space=pltpu.MemorySpace.VMEM),
        ],
        out_specs=[
            pl.BlockSpec(memory_space=pltpu.MemorySpace.HBM),
            pl.BlockSpec(memory_space=pltpu.MemorySpace.VMEM),
            pl.BlockSpec(memory_space=pltpu.MemorySpace.SMEM),
        ],
        out_shape=[
            jax.ShapeDtypeStruct((B_, A_), jnp.float32),
            jax.ShapeDtypeStruct((B_, 1), jnp.float32),
            jax.ShapeDtypeStruct((1, 1), jnp.float32),
        ],
        input_output_aliases={1: 0},
        scratch_shapes=[
            pltpu.VMEM((B_, 128), jnp.float32),
            pltpu.VMEM((B_, 128), jnp.float32),
            pltpu.SemaphoreType.DMA((8,)),
        ],
    )(target_q, Y, ba, ba, a2, a2, r2, d2)


def kernel(q_values, target_q_values, next_q_values, actions, rewards, dones):
    B, A = q_values.shape
    assert (B, A) == (B_, A_)
    r2 = rewards.reshape(B, 1).astype(jnp.float32)
    d2 = dones.reshape(B, 1).astype(jnp.float32)
    a2 = actions.reshape(B, 1).astype(jnp.int32)

    ba = _argmax_call(next_q_values)
    Ycopy = _sc_copy(q_values)
    return ba, Ycopy

# --- scband reference (transcript-rebuilt; emitter-appended) ---
"""Pipeline reference for scband-dqn-45887430591242 (READ-ONLY COPY).

The authoritative reference and input builder live on the scoring server;
editing this copy changes nothing except your own understanding.
"""

import jax, jax.numpy as jnp
import numpy as np

GAMMA = 0.99

def setup_inputs(seed: int = 0) -> dict:
    key = jax.random.key(seed)
    k1, k2, k3, k4, k5 = jax.random.split(key, 5)
    B, A = 128, 100000
    q_values = jax.random.normal(k1, (B, A), dtype=jnp.float32)
    target_q_values = jax.random.normal(k2, (B, A), dtype=jnp.float32)
    next_q_values = jax.random.normal(k3, (B, A), dtype=jnp.float32)
    actions = jax.random.randint(k4, (B,), 0, A, dtype=jnp.int64)
    rewards = jax.random.uniform(k5, (B,), dtype=jnp.float32)
    dones = jnp.zeros((B,), dtype=bool)
    return {"q_values": q_values, "target_q_values": target_q_values, "next_q_values": next_q_values, "actions": actions, "rewards": rewards, "dones": dones}


def reference(q_values, target_q_values, next_q_values, actions, rewards, dones):
    # Double-DQN target construction, vectorized version of the per-sample loop in DQN.train.
    B = q_values.shape[0]
    # argmax over online net's next-state Q-values (DDQN action selection)
    best_next_actions = jnp.argmax(next_q_values, axis=1)  # [B]
    # gather target network Q at the selected actions (DDQN evaluation)
    target_at_best = jnp.take_along_axis(target_q_values, best_next_actions[:, None], axis=1)[:, 0]  # [B]
    # bootstrapped TD target
    td_target = jnp.where(dones, rewards, rewards + GAMMA * target_at_best)  # [B]
    # scatter-overwrite the taken action's Q with the TD target (y[i][action] = ...)
    Y = q_values.at[jnp.arange(B), actions].set(td_target)  # [B, A]
    # elementwise smooth-L1-style squared error vs prediction (pred == q_values here),
    # matching loss_fn(pred, Y) with unit importance weights, mean-reduced
    weights = jnp.ones((B,), dtype=jnp.float32)
    per_elem = (q_values - Y) ** 2
    loss = (weights[:, None] * per_elem).mean()
    return Y, td_target, loss

if __name__ == "__main__":
    import jax
    _d = setup_inputs()
    print(jax.jit(kernel)(*tuple(_d.values())))

</pallas_src>

<mosaic_0001>
#map = affine_map<(d0, d1) -> (0, 0)>
module attributes {stable_mosaic.version = 14 : i64} {
  func.func @_sc_copy_body(%arg0: i32, %arg1: i32, %arg2: memref<128x100000xf32, #tpu.memory_space<hbm>>, %arg3: memref<128x100000xf32, #tpu.memory_space<hbm>>, %arg4: memref<8x4992xf32, #tpu.memory_space<vmem>>, %arg5: memref<8x4992xf32, #tpu.memory_space<vmem>>, %arg6: memref<8x160xf32, #tpu.memory_space<vmem>>, %arg7: memref<2x!tpu.dma_semaphore, #tpu.memory_space<semaphore_mem>>, %arg8: memref<2x!tpu.dma_semaphore, #tpu.memory_space<semaphore_mem>>) attributes {dimension_semantics = [#tpu.dimension_semantics<core_parallel>, #tpu.dimension_semantics<subcore_parallel>], iteration_bounds = array<i64: 2, 16>, scalar_prefetch = 0 : i64, scratch_operands = 5 : i64, tpu.core_type = #tpu.core_type<sc_vector_subcore>, window_params = [{transform_indices = #map}, {transform_indices = #map}]} {
    %mul3A = arith.constant 2 : i32
    %mul3A_0 = arith.muli %arg1, %mul3A : i32
    %add3A = arith.addi %mul3A_0, %arg0 : i32
    %jit3A = arith.constant 16 : i32
    %eq3A = arith.constant 0 : i32
    %eq3A_1 = arith.cmpi eq, %jit3A, %eq3A : i32
    %jit3A_2 = arith.constant 1 : i32
    %select_n3A = arith.select %eq3A_1, %jit3A_2, %jit3A : i32
    %rem3A = arith.remsi %add3A, %select_n3A : i32
    %ne3A = arith.constant 0 : i32
    %ne3A_3 = arith.cmpi ne, %rem3A, %ne3A : i32
    %lt3A = arith.constant 0 : i32
    %lt3A_4 = arith.cmpi slt, %rem3A, %lt3A : i32
    %lt3A_5 = arith.constant 0 : i32
    %lt3A_6 = arith.cmpi slt, %select_n3A, %lt3A_5 : i32
    %ne3A_7 = arith.xori %lt3A_4, %lt3A_6 : i1
    %and3A = arith.andi %ne3A_7, %ne3A_3 : i1
    %add3A_8 = arith.addi %rem3A, %select_n3A : i32
    %select_n3A_9 = arith.select %and3A, %add3A_8, %rem3A : i32
    %jit3A_10 = arith.constant 16 : i32
    %div3A = arith.divsi %add3A, %jit3A_10 : i32
    %sign3A = arith.constant 0 : i32
    %sign3A_11 = arith.cmpi sgt, %add3A, %sign3A : i32
    %sign3A_12 = arith.extui %sign3A_11 : i1 to i32
    %sign3A_13 = arith.constant 0 : i32
    %sign3A_14 = arith.cmpi slt, %add3A, %sign3A_13 : i32
    %sign3A_15 = arith.extui %sign3A_14 : i1 to i32
    %sign3A_16 = arith.subi %sign3A_12, %sign3A_15 : i32
    %sign3A_17 = arith.constant 0 : i32
    %sign3A_18 = arith.cmpi sgt, %jit3A_10, %sign3A_17 : i32
    %sign3A_19 = arith.extui %sign3A_18 : i1 to i32
    %sign3A_20 = arith.constant 0 : i32
    %sign3A_21 = arith.cmpi slt, %jit3A_10, %sign3A_20 : i32
    %sign3A_22 = arith.extui %sign3A_21 : i1 to i32
    %sign3A_23 = arith.subi %sign3A_19, %sign3A_22 : i32
    %ne3A_24 = arith.cmpi ne, %sign3A_16, %sign3A_23 : i32
    %rem3A_25 = arith.remsi %add3A, %jit3A_10 : i32
    %ne3A_26 = arith.constant 0 : i32
    %ne3A_27 = arith.cmpi ne, %rem3A_25, %ne3A_26 : i32
    %and3A_28 = arith.andi %ne3A_24, %ne3A_27 : i1
    %sub3A = arith.constant 1 : i32
    %sub3A_29 = arith.subi %div3A, %sub3A : i32
    %select_n3A_30 = arith.select %and3A_28, %sub3A_29, %div3A : i32
    %mul3A_31 = arith.constant 8 : i32
    %mul3A_32 = arith.muli %select_n3A_9, %mul3A_31 : i32
    %mul3A_33 = arith.constant 49920 : i32
    %mul3A_34 = arith.muli %select_n3A_30, %mul3A_33 : i32
    %add3A_35 = arith.constant 0 : i32
    %add3A_36 = arith.addi %mul3A_34, %add3A_35 : i32
    %dma_start3A = arith.constant 0 : i32
    %dma_start3A_37 = tpu.memref_slice %arg2[%mul3A_32, %add3A_36] : memref<128x100000xf32, #tpu.memory_space<hbm>> -> memref<8x4992xf32, #tpu.memory_space<hbm>>
    %dma_start3A_38 = tpu.memref_slice %arg7[%dma_start3A] : memref<2x!tpu.dma_semaphore, #tpu.memory_space<semaphore_mem>> -> memref<1x!tpu.dma_semaphore, #tpu.memory_space<semaphore_mem>>
    %dma_start3A_39 = tpu.memref_squeeze %dma_start3A_38 : memref<1x!tpu.dma_semaphore, #tpu.memory_space<semaphore_mem>> -> memref<!tpu.dma_semaphore, #tpu.memory_space<semaphore_mem>>
    %dma_start3A_40 = tpu.memref_slice %arg2[%mul3A_32, %add3A_36] : memref<128x100000xf32, #tpu.memory_space<hbm>> -> memref<8x4992xf32, #tpu.memory_space<hbm>>
    tpu.enqueue_dma source(%dma_start3A_40 : memref<8x4992xf32, #tpu.memory_space<hbm>>) target(%arg4 : memref<8x4992xf32, #tpu.memory_space<vmem>>) target_semaphore(%dma_start3A_39 : memref<!tpu.dma_semaphore, #tpu.memory_space<semaphore_mem>>)
    %add3A_41 = arith.constant 0 : i32
    %add3A_42 = arith.addi %mul3A_34, %add3A_41 : i32
    %dma_wait3A = arith.constant 0 : i32
    %dma_wait3A_43 = tpu.memref_slice %arg2[%mul3A_32, %add3A_42] : memref<128x100000xf32, #tpu.memory_space<hbm>> -> memref<8x4992xf32, #tpu.memory_space<hbm>>
    %dma_wait3A_44 = tpu.memref_slice %arg7[%dma_wait3A] : memref<2x!tpu.dma_semaphore, #tpu.memory_space<semaphore_mem>> -> memref<1x!tpu.dma_semaphore, #tpu.memory_space<semaphore_mem>>
    %dma_wait3A_45 = tpu.memref_squeeze %dma_wait3A_44 : memref<1x!tpu.dma_semaphore, #tpu.memory_space<semaphore_mem>> -> memref<!tpu.dma_semaphore, #tpu.memory_space<semaphore_mem>>
    %dma_wait3A_46 = tpu.memref_slice %arg2[%mul3A_32, %add3A_42] : memref<128x100000xf32, #tpu.memory_space<hbm>> -> memref<8x4992xf32, #tpu.memory_space<hbm>>
    tpu.wait_dma2 semaphore(%dma_wait3A_45 : memref<!tpu.dma_semaphore, #tpu.memory_space<semaphore_mem>>) src(%dma_wait3A_46 : memref<8x4992xf32, #tpu.memory_space<hbm>>) dst(%arg4 : memref<8x4992xf32, #tpu.memory_space<vmem>>)
    %add3A_47 = arith.constant 0 : i32
    %add3A_48 = arith.addi %mul3A_34, %add3A_47 : i32
    %dma_start3A_49 = arith.constant 0 : i32
    %dma_start3A_50 = tpu.memref_slice %arg3[%mul3A_32, %add3A_48] : memref<128x100000xf32, #tpu.memory_space<hbm>> -> memref<8x4992xf32, #tpu.memory_space<hbm>>
    %dma_start3A_51 = tpu.memref_slice %arg8[%dma_start3A_49] : memref<2x!tpu.dma_semaphore, #tpu.memory_space<semaphore_mem>> -> memref<1x!tpu.dma_semaphore, #tpu.memory_space<semaphore_mem>>
    %dma_start3A_52 = tpu.memref_squeeze %dma_start3A_51 : memref<1x!tpu.dma_semaphore, #tpu.memory_space<semaphore_mem>> -> memref<!tpu.dma_semaphore, #tpu.memory_space<semaphore_mem>>
    %dma_start3A_53 = tpu.memref_slice %arg3[%mul3A_32, %add3A_48] : memref<128x100000xf32, #tpu.memory_space<hbm>> -> memref<8x4992xf32, #tpu.memory_space<hbm>>
    tpu.enqueue_dma source(%arg4 : memref<8x4992xf32, #tpu.memory_space<vmem>>) target(%dma_start3A_53 : memref<8x4992xf32, #tpu.memory_space<hbm>>) target_semaphore(%dma_start3A_52 : memref<!tpu.dma_semaphore, #tpu.memory_space<semaphore_mem>>)
    %add3A_54 = arith.constant 4992 : i32
    %add3A_55 = arith.addi %mul3A_34, %add3A_54 : i32
    %dma_start3A_56 = arith.constant 1 : i32
    %dma_start3A_57 = tpu.memref_slice %arg2[%mul3A_32, %add3A_55] : memref<128x100000xf32, #tpu.memory_space<hbm>> -> memref<8x4992xf32, #tpu.memory_space<hbm>>
    %dma_start3A_58 = tpu.memref_slice %arg7[%dma_start3A_56] : memref<2x!tpu.dma_semaphore, #tpu.memory_space<semaphore_mem>> -> memref<1x!tpu.dma_semaphore, #tpu.memory_space<semaphore_mem>>
    %dma_start3A_59 = tpu.memref_squeeze %dma_start3A_58 : memref<1x!tpu.dma_semaphore, #tpu.memory_space<semaphore_mem>> -> memref<!tpu.dma_semaphore, #tpu.memory_space<semaphore_mem>>
    %dma_start3A_60 = tpu.memref_slice %arg2[%mul3A_32, %add3A_55] : memref<128x100000xf32, #tpu.memory_space<hbm>> -> memref<8x4992xf32, #tpu.memory_space<hbm>>
    tpu.enqueue_dma source(%dma_start3A_60 : memref<8x4992xf32, #tpu.memory_space<hbm>>) target(%arg5 : memref<8x4992xf32, #tpu.memory_space<vmem>>) target_semaphore(%dma_start3A_59 : memref<!tpu.dma_semaphore, #tpu.memory_space<semaphore_mem>>)
    %add3A_61 = arith.constant 4992 : i32
    %add3A_62 = arith.addi %mul3A_34, %add3A_61 : i32
    %dma_wait3A_63 = arith.constant 1 : i32
    %dma_wait3A_64 = tpu.memref_slice %arg2[%mul3A_32, %add3A_62] : memref<128x100000xf32, #tpu.memory_space<hbm>> -> memref<8x4992xf32, #tpu.memory_space<hbm>>
    %dma_wait3A_65 = tpu.memref_slice %arg7[%dma_wait3A_63] : memref<2x!tpu.dma_semaphore, #tpu.memory_space<semaphore_mem>> -> memref<1x!tpu.dma_semaphore, #tpu.memory_space<semaphore_mem>>
    %dma_wait3A_66 = tpu.memref_squeeze %dma_wait3A_65 : memref<1x!tpu.dma_semaphore, #tpu.memory_space<semaphore_mem>> -> memref<!tpu.dma_semaphore, #tpu.memory_space<semaphore_mem>>
    %dma_wait3A_67 = tpu.memref_slice %arg2[%mul3A_32, %add3A_62] : memref<128x100000xf32, #tpu.memory_space<hbm>> -> memref<8x4992xf32, #tpu.memory_space<hbm>>
    tpu.wait_dma2 semaphore(%dma_wait3A_66 : memref<!tpu.dma_semaphore, #tpu.memory_space<semaphore_mem>>) src(%dma_wait3A_67 : memref<8x4992xf32, #tpu.memory_space<hbm>>) dst(%arg5 : memref<8x4992xf32, #tpu.memory_space<vmem>>)
    %add3A_68 = arith.constant 4992 : i32
    %add3A_69 = arith.addi %mul3A_34, %add3A_68 : i32
    %dma_start3A_70 = arith.constant 1 : i32
    %dma_start3A_71 = tpu.memref_slice %arg3[%mul3A_32, %add3A_69] : memref<128x100000xf32, #tpu.memory_space<hbm>> -> memref<8x4992xf32, #tpu.memory_space<hbm>>
    %dma_start3A_72 = tpu.memref_slice %arg8[%dma_start3A_70] : memref<2x!tpu.dma_semaphore, #tpu.memory_space<semaphore_mem>> -> memref<1x!tpu.dma_semaphore, #tpu.memory_space<semaphore_mem>>
    %dma_start3A_73 = tpu.memref_squeeze %dma_start3A_72 : memref<1x!tpu.dma_semaphore, #tpu.memory_space<semaphore_mem>> -> memref<!tpu.dma_semaphore, #tpu.memory_space<semaphore_mem>>
    %dma_start3A_74 = tpu.memref_slice %arg3[%mul3A_32, %add3A_69] : memref<128x100000xf32, #tpu.memory_space<hbm>> -> memref<8x4992xf32, #tpu.memory_space<hbm>>
    tpu.enqueue_dma source(%arg5 : memref<8x4992xf32, #tpu.memory_space<vmem>>) target(%dma_start3A_74 : memref<8x4992xf32, #tpu.memory_space<hbm>>) target_semaphore(%dma_start3A_73 : memref<!tpu.dma_semaphore, #tpu.memory_space<semaphore_mem>>)
    %add3A_75 = arith.constant 0 : i32
    %add3A_76 = arith.addi %mul3A_34, %add3A_75 : i32
    %dma_wait3A_77 = arith.constant 0 : i32
    %dma_wait3A_78 = tpu.memref_slice %arg3[%mul3A_32, %add3A_76] : memref<128x100000xf32, #tpu.memory_space<hbm>> -> memref<8x4992xf32, #tpu.memory_space<hbm>>
    %dma_wait3A_79 = tpu.memref_slice %arg8[%dma_wait3A_77] : memref<2x!tpu.dma_semaphore, #tpu.memory_space<semaphore_mem>> -> memref<1x!tpu.dma_semaphore, #tpu.memory_space<semaphore_mem>>
    %dma_wait3A_80 = tpu.memref_squeeze %dma_wait3A_79 : memref<1x!tpu.dma_semaphore, #tpu.memory_space<semaphore_mem>> -> memref<!tpu.dma_semaphore, #tpu.memory_space<semaphore_mem>>
    %dma_wait3A_81 = tpu.memref_slice %arg3[%mul3A_32, %add3A_76] : memref<128x100000xf32, #tpu.memory_space<hbm>> -> memref<8x4992xf32, #tpu.memory_space<hbm>>
    tpu.wait_dma2 semaphore(%dma_wait3A_80 : memref<!tpu.dma_semaphore, #tpu.memory_space<semaphore_mem>>) src(%arg4 : memref<8x4992xf32, #tpu.memory_space<vmem>>) dst(%dma_wait3A_81 : memref<8x4992xf32, #tpu.memory_space<hbm>>)
    %add3A_82 = arith.constant 9984 : i32
    %add3A_83 = arith.addi %mul3A_34, %add3A_82 : i32
    %dma_start3A_84 = arith.constant 0 : i32
    %dma_start3A_85 = tpu.memref_slice %arg2[%mul3A_32, %add3A_83] : memref<128x100000xf32, #tpu.memory_space<hbm>> -> memref<8x4992xf32, #tpu.memory_space<hbm>>
    %dma_start3A_86 = tpu.memref_slice %arg7[%dma_start3A_84] : memref<2x!tpu.dma_semaphore, #tpu.memory_space<semaphore_mem>> -> memref<1x!tpu.dma_semaphore, #tpu.memory_space<semaphore_mem>>
    %dma_start3A_87 = tpu.memref_squeeze %dma_start3A_86 : memref<1x!tpu.dma_semaphore, #tpu.memory_space<semaphore_mem>> -> memref<!tpu.dma_semaphore, #tpu.memory_space<semaphore_mem>>
    %dma_start3A_88 = tpu.memref_slice %arg2[%mul3A_32, %add3A_83] : memref<128x100000xf32, #tpu.memory_space<hbm>> -> memref<8x4992xf32, #tpu.memory_space<hbm>>
    tpu.enqueue_dma source(%dma_start3A_88 : memref<8x4992xf32, #tpu.memory_space<hbm>>) target(%arg4 : memref<8x4992xf32, #tpu.memory_space<vmem>>) target_semaphore(%dma_start3A_87 : memref<!tpu.dma_semaphore, #tpu.memory_space<semaphore_mem>>)
    %add3A_89 = arith.constant 9984 : i32
    %add3A_90 = arith.addi %mul3A_34, %add3A_89 : i32
    %dma_wait3A_91 = arith.constant 0 : i32
    %dma_wait3A_92 = tpu.memref_slice %arg2[%mul3A_32, %add3A_90] : memref<128x100000xf32, #tpu.memory_space<hbm>> -> memref<8x4992xf32, #tpu.memory_space<hbm>>
    %dma_wait3A_93 = tpu.memref_slice %arg7[%dma_wait3A_91] : memref<2x!tpu.dma_semaphore, #tpu.memory_space<semaphore_mem>> -> memref<1x!tpu.dma_semaphore, #tpu.memory_space<semaphore_mem>>
    %dma_wait3A_94 = tpu.memref_squeeze %dma_wait3A_93 : memref<1x!tpu.dma_semaphore, #tpu.memory_space<semaphore_mem>> -> memref<!tpu.dma_semaphore, #tpu.memory_space<semaphore_mem>>
    %dma_wait3A_95 = tpu.memref_slice %arg2[%mul3A_32, %add3A_90] : memref<128x100000xf32, #tpu.memory_space<hbm>> -> memref<8x4992xf32, #tpu.memory_space<hbm>>
    tpu.wait_dma2 semaphore(%dma_wait3A_94 : memref<!tpu.dma_semaphore, #tpu.memory_space<semaphore_mem>>) src(%dma_wait3A_95 : memref<8x4992xf32, #tpu.memory_space<hbm>>) dst(%arg4 : memref<8x4992xf32, #tpu.memory_space<vmem>>)
    %add3A_96 = arith.constant 9984 : i32
    %add3A_97 = arith.addi %mul3A_34, %add3A_96 : i32
    %dma_start3A_98 = arith.constant 0 : i32
    %dma_start3A_99 = tpu.memref_slice %arg3[%mul3A_32, %add3A_97] : memref<128x100000xf32, #tpu.memory_space<hbm>> -> memref<8x4992xf32, #tpu.memory_space<hbm>>
    %dma_start3A_100 = tpu.memref_slice %arg8[%dma_start3A_98] : memref<2x!tpu.dma_semaphore, #tpu.memory_space<semaphore_mem>> -> memref<1x!tpu.dma_semaphore, #tpu.memory_space<semaphore_mem>>
    %dma_start3A_101 = tpu.memref_squeeze %dma_start3A_100 : memref<1x!tpu.dma_semaphore, #tpu.memory_space<semaphore_mem>> -> memref<!tpu.dma_semaphore, #tpu.memory_space<semaphore_mem>>
    %dma_start3A_102 = tpu.memref_slice %arg3[%mul3A_32, %add3A_97] : memref<128x100000xf32, #tpu.memory_space<hbm>> -> memref<8x4992xf32, #tpu.memory_space<hbm>>
    tpu.enqueue_dma source(%arg4 : memref<8x4992xf32, #tpu.memory_space<vmem>>) target(%dma_start3A_102 : memref<8x4992xf32, #tpu.memory_space<hbm>>) target_semaphore(%dma_start3A_101 : memref<!tpu.dma_semaphore, #tpu.memory_space<semaphore_mem>>)
    %add3A_103 = arith.constant 4992 : i32
    %add3A_104 = arith.addi %mul3A_34, %add3A_103 : i32
    %dma_wait3A_105 = arith.constant 1 : i32
    %dma_wait3A_106 = tpu.memref_slice %arg3[%mul3A_32, %add3A_104] : memref<128x100000xf32, #tpu.memory_space<hbm>> -> memref<8x4992xf32, #tpu.memory_space<hbm>>
    %dma_wait3A_107 = tpu.memref_slice %arg8[%dma_wait3A_105] : memref<2x!tpu.dma_semaphore, #tpu.memory_space<semaphore_mem>> -> memref<1x!tpu.dma_semaphore, #tpu.memory_space<semaphore_mem>>
    %dma_wait3A_108 = tpu.memref_squeeze %dma_wait3A_107 : memref<1x!tpu.dma_semaphore, #tpu.memory_space<semaphore_mem>> -> memref<!tpu.dma_semaphore, #tpu.memory_space<semaphore_mem>>
    %dma_wait3A_109 = tpu.memref_slice %arg3[%mul3A_32, %add3A_104] : memref<128x100000xf32, #tpu.memory_space<hbm>> -> memref<8x4992xf32, #tpu.memory_space<hbm>>
    tpu.wait_dma2 semaphore(%dma_wait3A_108 : memref<!tpu.dma_semaphore, #tpu.memory_space<semaphore_mem>>) src(%arg5 : memref<8x4992xf32, #tpu.memory_space<vmem>>) dst(%dma_wait3A_109 : memref<8x4992xf32, #tpu.memory_space<hbm>>)
    %add3A_110 = arith.constant 14976 : i32
    %add3A_111 = arith.addi %mul3A_34, %add3A_110 : i32
    %dma_start3A_112 = arith.constant 1 : i32
    %dma_start3A_113 = tpu.memref_slice %arg2[%mul3A_32, %add3A_111] : memref<128x100000xf32, #tpu.memory_space<hbm>> -> memref<8x4992xf32, #tpu.memory_space<hbm>>
    %dma_start3A_114 = tpu.memref_slice %arg7[%dma_start3A_112] : memref<2x!tpu.dma_semaphore, #tpu.memory_space<semaphore_mem>> -> memref<1x!tpu.dma_semaphore, #tpu.memory_space<semaphore_mem>>
    %dma_start3A_115 = tpu.memref_squeeze %dma_start3A_114 : memref<1x!tpu.dma_semaphore, #tpu.memory_space<semaphore_mem>> -> memref<!tpu.dma_semaphore, #tpu.memory_space<semaphore_mem>>
    %dma_start3A_116 = tpu.memref_slice %arg2[%mul3A_32, %add3A_111] : memref<128x100000xf32, #tpu.memory_space<hbm>> -> memref<8x4992xf32, #tpu.memory_space<hbm>>
    tpu.enqueue_dma source(%dma_start3A_116 : memref<8x4992xf32, #tpu.memory_space<hbm>>) target(%arg5 : memref<8x4992xf32, #tpu.memory_space<vmem>>) target_semaphore(%dma_start3A_115 : memref<!tpu.dma_semaphore, #tpu.memory_space<semaphore_mem>>)
    %add3A_117 = arith.constant 14976 : i32
    %add3A_118 = arith.addi %mul3A_34, %add3A_117 : i32
    %dma_wait3A_119 = arith.constant 1 : i32
    %dma_wait3A_120 = tpu.memref_slice %arg2[%mul3A_32, %add3A_118] : memref<128x100000xf32, #tpu.memory_space<hbm>> -> memref<8x4992xf32, #tpu.memory_space<hbm>>
    %dma_wait3A_121 = tpu.memref_slice %arg7[%dma_wait3A_119] : memref<2x!tpu.dma_semaphore, #tpu.memory_space<semaphore_mem>> -> memref<1x!tpu.dma_semaphore, #tpu.memory_space<semaphore_mem>>
    %dma_wait3A_122 = tpu.memref_squeeze %dma_wait3A_121 : memref<1x!tpu.dma_semaphore, #tpu.memory_space<semaphore_mem>> -> memref<!tpu.dma_semaphore, #tpu.memory_space<semaphore_mem>>
    %dma_wait3A_123 = tpu.memref_slice %arg2[%mul3A_32, %add3A_118] : memref<128x100000xf32, #tpu.memory_space<hbm>> -> memref<8x4992xf32, #tpu.memory_space<hbm>>
    tpu.wait_dma2 semaphore(%dma_wait3A_122 : memref<!tpu.dma_semaphore, #tpu.memory_space<semaphore_mem>>) src(%dma_wait3A_123 : memref<8x4992xf32, #tpu.memory_space<hbm>>) dst(%arg5 : memref<8x4992xf32, #tpu.memory_space<vmem>>)
    %add3A_124 = arith.constant 14976 : i32
    %add3A_125 = arith.addi %mul3A_34, %add3A_124 : i32
    %dma_start3A_126 = arith.constant 1 : i32
    %dma_start3A_127 = tpu.memref_slice %arg3[%mul3A_32, %add3A_125] : memref<128x100000xf32, #tpu.memory_space<hbm>> -> memref<8x4992xf32, #tpu.memory_space<hbm>>
    %dma_start3A_128 = tpu.memref_slice %arg8[%dma_start3A_126] : memref<2x!tpu.dma_semaphore, #tpu.memory_space<semaphore_mem>> -> memref<1x!tpu.dma_semaphore, #tpu.memory_space<semaphore_mem>>
    %dma_start3A_129 = tpu.memref_squeeze %dma_start3A_128 : memref<1x!tpu.dma_semaphore, #tpu.memory_space<semaphore_mem>> -> memref<!tpu.dma_semaphore, #tpu.memory_space<semaphore_mem>>
    %dma_start3A_130 = tpu.memref_slice %arg3[%mul3A_32, %add3A_125] : memref<128x100000xf32, #tpu.memory_space<hbm>> -> memref<8x4992xf32, #tpu.memory_space<hbm>>
    tpu.enqueue_dma source(%arg5 : memref<8x4992xf32, #tpu.memory_space<vmem>>) target(%dma_start3A_130 : memref<8x4992xf32, #tpu.memory_space<hbm>>) target_semaphore(%dma_start3A_129 : memref<!tpu.dma_semaphore, #tpu.memory_space<semaphore_mem>>)
    %add3A_131 = arith.constant 9984 : i32
    %add3A_132 = arith.addi %mul3A_34, %add3A_131 : i32
    %dma_wait3A_133 = arith.constant 0 : i32
    %dma_wait3A_134 = tpu.memref_slice %arg3[%mul3A_32, %add3A_132] : memref<128x100000xf32, #tpu.memory_space<hbm>> -> memref<8x4992xf32, #tpu.memory_space<hbm>>
    %dma_wait3A_135 = tpu.memref_slice %arg8[%dma_wait3A_133] : memref<2x!tpu.dma_semaphore, #tpu.memory_space<semaphore_mem>> -> memref<1x!tpu.dma_semaphore, #tpu.memory_space<semaphore_mem>>
    %dma_wait3A_136 = tpu.memref_squeeze %dma_wait3A_135 : memref<1x!tpu.dma_semaphore, #tpu.memory_space<semaphore_mem>> -> memref<!tpu.dma_semaphore, #tpu.memory_space<semaphore_mem>>
    %dma_wait3A_137 = tpu.memref_slice %arg3[%mul3A_32, %add3A_132] : memref<128x100000xf32, #tpu.memory_space<hbm>> -> memref<8x4992xf32, #tpu.memory_space<hbm>>
    tpu.wait_dma2 semaphore(%dma_wait3A_136 : memref<!tpu.dma_semaphore, #tpu.memory_space<semaphore_mem>>) src(%arg4 : memref<8x4992xf32, #tpu.memory_space<vmem>>) dst(%dma_wait3A_137 : memref<8x4992xf32, #tpu.memory_space<hbm>>)
    %add3A_138 = arith.constant 19968 : i32
    %add3A_139 = arith.addi %mul3A_34, %add3A_138 : i32
    %dma_start3A_140 = arith.constant 0 : i32
    %dma_start3A_141 = tpu.memref_slice %arg2[%mul3A_32, %add3A_139] : memref<128x100000xf32, #tpu.memory_space<hbm>> -> memref<8x4992xf32, #tpu.memory_space<hbm>>
    %dma_start3A_142 = tpu.memref_slice %arg7[%dma_start3A_140] : memref<2x!tpu.dma_semaphore, #tpu.memory_space<semaphore_mem>> -> memref<1x!tpu.dma_semaphore, #tpu.memory_space<semaphore_mem>>
    %dma_start3A_143 = tpu.memref_squeeze %dma_start3A_142 : memref<1x!tpu.dma_semaphore, #tpu.memory_space<semaphore_mem>> -> memref<!tpu.dma_semaphore, #tpu.memory_space<semaphore_mem>>
    %dma_start3A_144 = tpu.memref_slice %arg2[%mul3A_32, %add3A_139] : memref<128x100000xf32, #tpu.memory_space<hbm>> -> memref<8x4992xf32, #tpu.memory_space<hbm>>
    tpu.enqueue_dma source(%dma_start3A_144 : memref<8x4992xf32, #tpu.memory_space<hbm>>) target(%arg4 : memref<8x4992xf32, #tpu.memory_space<vmem>>) target_semaphore(%dma_start3A_143 : memref<!tpu.dma_semaphore, #tpu.memory_space<semaphore_mem>>)
    %add3A_145 = arith.constant 19968 : i32
    %add3A_146 = arith.addi %mul3A_34, %add3A_145 : i32
    %dma_wait3A_147 = arith.constant 0 : i32
    %dma_wait3A_148 = tpu.memref_slice %arg2[%mul3A_32, %add3A_146] : memref<128x100000xf32, #tpu.memory_space<hbm>> -> memref<8x4992xf32, #tpu.memory_space<hbm>>
    %dma_wait3A_149 = tpu.memref_slice %arg7[%dma_wait3A_147] : memref<2x!tpu.dma_semaphore, #tpu.memory_space<semaphore_mem>> -> memref<1x!tpu.dma_semaphore, #tpu.memory_space<semaphore_mem>>
    %dma_wait3A_150 = tpu.memref_squeeze %dma_wait3A_149 : memref<1x!tpu.dma_semaphore, #tpu.memory_space<semaphore_mem>> -> memref<!tpu.dma_semaphore, #tpu.memory_space<semaphore_mem>>
    %dma_wait3A_151 = tpu.memref_slice %arg2[%mul3A_32, %add3A_146] : memref<128x100000xf32, #tpu.memory_space<hbm>> -> memref<8x4992xf32, #tpu.memory_space<hbm>>
    tpu.wait_dma2 semaphore(%dma_wait3A_150 : memref<!tpu.dma_semaphore, #tpu.memory_space<semaphore_mem>>) src(%dma_wait3A_151 : memref<8x4992xf32, #tpu.memory_space<hbm>>) dst(%arg4 : memref<8x4992xf32, #tpu.memory_space<vmem>>)
    %add3A_152 = arith.constant 19968 : i32
    %add3A_153 = arith.addi %mul3A_34, %add3A_152 : i32
    %dma_start3A_154 = arith.constant 0 : i32
    %dma_start3A_155 = tpu.memref_slice %arg3[%mul3A_32, %add3A_153] : memref<128x100000xf32, #tpu.memory_space<hbm>> -> memref<8x4992xf32, #tpu.memory_space<hbm>>
    %dma_start3A_156 = tpu.memref_slice %arg8[%dma_start3A_154] : memref<2x!tpu.dma_semaphore, #tpu.memory_space<semaphore_mem>> -> memref<1x!tpu.dma_semaphore, #tpu.memory_space<semaphore_mem>>
    %dma_start3A_157 = tpu.memref_squeeze %dma_start3A_156 : memref<1x!tpu.dma_semaphore, #tpu.memory_space<semaphore_mem>> -> memref<!tpu.dma_semaphore, #tpu.memory_space<semaphore_mem>>
    %dma_start3A_158 = tpu.memref_slice %arg3[%mul3A_32, %add3A_153] : memref<128x100000xf32, #tpu.memory_space<hbm>> -> memref<8x4992xf32, #tpu.memory_space<hbm>>
    tpu.enqueue_dma source(%arg4 : memref<8x4992xf32, #tpu.memory_space<vmem>>) target(%dma_start3A_158 : memref<8x4992xf32, #tpu.memory_space<hbm>>) target_semaphore(%dma_start3A_157 : memref<!tpu.dma_semaphore, #tpu.memory_space<semaphore_mem>>)
    %add3A_159 = arith.constant 14976 : i32
    %add3A_160 = arith.addi %mul3A_34, %add3A_159 : i32
    %dma_wait3A_161 = arith.constant 1 : i32
    %dma_wait3A_162 = tpu.memref_slice %arg3[%mul3A_32, %add3A_160] : memref<128x100000xf32, #tpu.memory_space<hbm>> -> memref<8x4992xf32, #tpu.memory_space<hbm>>
    %dma_wait3A_163 = tpu.memref_slice %arg8[%dma_wait3A_161] : memref<2x!tpu.dma_semaphore, #tpu.memory_space<semaphore_mem>> -> memref<1x!tpu.dma_semaphore, #tpu.memory_space<semaphore_mem>>
    %dma_wait3A_164 = tpu.memref_squeeze %dma_wait3A_163 : memref<1x!tpu.dma_semaphore, #tpu.memory_space<semaphore_mem>> -> memref<!tpu.dma_semaphore, #tpu.memory_space<semaphore_mem>>
    %dma_wait3A_165 = tpu.memref_slice %arg3[%mul3A_32, %add3A_160] : memref<128x100000xf32, #tpu.memory_space<hbm>> -> memref<8x4992xf32, #tpu.memory_space<hbm>>
    tpu.wait_dma2 semaphore(%dma_wait3A_164 : memref<!tpu.dma_semaphore, #tpu.memory_space<semaphore_mem>>) src(%arg5 : memref<8x4992xf32, #tpu.memory_space<vmem>>) dst(%dma_wait3A_165 : memref<8x4992xf32, #tpu.memory_space<hbm>>)
    %add3A_166 = arith.constant 24960 : i32
    %add3A_167 = arith.addi %mul3A_34, %add3A_166 : i32
    %dma_start3A_168 = arith.constant 1 : i32
    %dma_start3A_169 = tpu.memref_slice %arg2[%mul3A_32, %add3A_167] : memref<128x100000xf32, #tpu.memory_space<hbm>> -> memref<8x4992xf32, #tpu.memory_space<hbm>>
    %dma_start3A_170 = tpu.memref_slice %arg7[%dma_start3A_168] : memref<2x!tpu.dma_semaphore, #tpu.memory_space<semaphore_mem>> -> memref<1x!tpu.dma_semaphore, #tpu.memory_space<semaphore_mem>>
    %dma_start3A_171 = tpu.memref_squeeze %dma_start3A_170 : memref<1x!tpu.dma_semaphore, #tpu.memory_space<semaphore_mem>> -> memref<!tpu.dma_semaphore, #tpu.memory_space<semaphore_mem>>
    %dma_start3A_172 = tpu.memref_slice %arg2[%mul3A_32, %add3A_167] : memref<128x100000xf32, #tpu.memory_space<hbm>> -> memref<8x4992xf32, #tpu.memory_space<hbm>>
    tpu.enqueue_dma source(%dma_start3A_172 : memref<8x4992xf32, #tpu.memory_space<hbm>>) target(%arg5 : memref<8x4992xf32, #tpu.memory_space<vmem>>) target_semaphore(%dma_start3A_171 : memref<!tpu.dma_semaphore, #tpu.memory_space<semaphore_mem>>)
    %add3A_173 = arith.constant 24960 : i32
    %add3A_174 = arith.addi %mul3A_34, %add3A_173 : i32
    %dma_wait3A_175 = arith.constant 1 : i32
    %dma_wait3A_176 = tpu.memref_slice %arg2[%mul3A_32, %add3A_174] : memref<128x100000xf32, #tpu.memory_space<hbm>> -> memref<8x4992xf32, #tpu.memory_space<hbm>>
    %dma_wait3A_177 = tpu.memref_slice %arg7[%dma_wait3A_175] : memref<2x!tpu.dma_semaphore, #tpu.memory_space<semaphore_mem>> -> memref<1x!tpu.dma_semaphore, #tpu.memory_space<semaphore_mem>>
    %dma_wait3A_178 = tpu.memref_squeeze %dma_wait3A_177 : memref<1x!tpu.dma_semaphore, #tpu.memory_space<semaphore_mem>> -> memref<!tpu.dma_semaphore, #tpu.memory_space<semaphore_mem>>
    %dma_wait3A_179 = tpu.memref_slice %arg2[%mul3A_32, %add3A_174] : memref<128x100000xf32, #tpu.memory_space<hbm>> -> memref<8x4992xf32, #tpu.memory_space<hbm>>
    tpu.wait_dma2 semaphore(%dma_wait3A_178 : memref<!tpu.dma_semaphore, #tpu.memory_space<semaphore_mem>>) src(%dma_wait3A_179 : memref<8x4992xf32, #tpu.memory_space<hbm>>) dst(%arg5 : memref<8x4992xf32, #tpu.memory_space<vmem>>)
    %add3A_180 = arith.constant 24960 : i32
    %add3A_181 = arith.addi %mul3A_34, %add3A_180 : i32
    %dma_start3A_182 = arith.constant 1 : i32
    %dma_start3A_183 = tpu.memref_slice %arg3[%mul3A_32, %add3A_181] : memref<128x100000xf32, #tpu.memory_space<hbm>> -> memref<8x4992xf32, #tpu.memory_space<hbm>>
    %dma_start3A_184 = tpu.memref_slice %arg8[%dma_start3A_182] : memref<2x!tpu.dma_semaphore, #tpu.memory_space<semaphore_mem>> -> memref<1x!tpu.dma_semaphore, #tpu.memory_space<semaphore_mem>>
    %dma_start3A_185 = tpu.memref_squeeze %dma_start3A_184 : memref<1x!tpu.dma_semaphore, #tpu.memory_space<semaphore_mem>> -> memref<!tpu.dma_semaphore, #tpu.memory_space<semaphore_mem>>
    %dma_start3A_186 = tpu.memref_slice %arg3[%mul3A_32, %add3A_181] : memref<128x100000xf32, #tpu.memory_space<hbm>> -> memref<8x4992xf32, #tpu.memory_space<hbm>>
    tpu.enqueue_dma source(%arg5 : memref<8x4992xf32, #tpu.memory_space<vmem>>) target(%dma_start3A_186 : memref<8x4992xf32, #tpu.memory_space<hbm>>) target_semaphore(%dma_start3A_185 : memref<!tpu.dma_semaphore, #tpu.memory_space<semaphore_mem>>)
    %add3A_187 = arith.constant 19968 : i32
    %add3A_188 = arith.addi %mul3A_34, %add3A_187 : i32
    %dma_wait3A_189 = arith.constant 0 : i32
    %dma_wait3A_190 = tpu.memref_slice %arg3[%mul3A_32, %add3A_188] : memref<128x100000xf32, #tpu.memory_space<hbm>> -> memref<8x4992xf32, #tpu.memory_space<hbm>>
    %dma_wait3A_191 = tpu.memref_slice %arg8[%dma_wait3A_189] : memref<2x!tpu.dma_semaphore, #tpu.memory_space<semaphore_mem>> -> memref<1x!tpu.dma_semaphore, #tpu.memory_space<semaphore_mem>>
    %dma_wait3A_192 = tpu.memref_squeeze %dma_wait3A_191 : memref<1x!tpu.dma_semaphore, #tpu.memory_space<semaphore_mem>> -> memref<!tpu.dma_semaphore, #tpu.memory_space<semaphore_mem>>
    %dma_wait3A_193 = tpu.memref_slice %arg3[%mul3A_32, %add3A_188] : memref<128x100000xf32, #tpu.memory_space<hbm>> -> memref<8x4992xf32, #tpu.memory_space<hbm>>
    tpu.wait_dma2 semaphore(%dma_wait3A_192 : memref<!tpu.dma_semaphore, #tpu.memory_space<semaphore_mem>>) src(%arg4 : memref<8x4992xf32, #tpu.memory_space<vmem>>) dst(%dma_wait3A_193 : memref<8x4992xf32, #tpu.memory_space<hbm>>)
    %add3A_194 = arith.constant 29952 : i32
    %add3A_195 = arith.addi %mul3A_34, %add3A_194 : i32
    %dma_start3A_196 = arith.constant 0 : i32
    %dma_start3A_197 = tpu.memref_slice %arg2[%mul3A_32, %add3A_195] : memref<128x100000xf32, #tpu.memory_space<hbm>> -> memref<8x4992xf32, #tpu.memory_space<hbm>>
    %dma_start3A_198 = tpu.memref_slice %arg7[%dma_start3A_196] : memref<2x!tpu.dma_semaphore, #tpu.memory_space<semaphore_mem>> -> memref<1x!tpu.dma_semaphore, #tpu.memory_space<semaphore_mem>>
    %dma_start3A_199 = tpu.memref_squeeze %dma_start3A_198 : memref<1x!tpu.dma_semaphore, #tpu.memory_space<semaphore_mem>> -> memref<!tpu.dma_semaphore, #tpu.memory_space<semaphore_mem>>
    %dma_start3A_200 = tpu.memref_slice %arg2[%mul3A_32, %add3A_195] : memref<128x100000xf32, #tpu.memory_space<hbm>> -> memref<8x4992xf32, #tpu.memory_space<hbm>>
    tpu.enqueue_dma source(%dma_start3A_200 : memref<8x4992xf32, #tpu.memory_space<hbm>>) target(%arg4 : memref<8x4992xf32, #tpu.memory_space<vmem>>) target_semaphore(%dma_start3A_199 : memref<!tpu.dma_semaphore, #tpu.memory_space<semaphore_mem>>)
    %add3A_201 = arith.constant 29952 : i32
    %add3A_202 = arith.addi %mul3A_34, %add3A_201 : i32
    %dma_wait3A_203 = arith.constant 0 : i32
    %dma_wait3A_204 = tpu.memref_slice %arg2[%mul3A_32, %add3A_202] : memref<128x100000xf32, #tpu.memory_space<hbm>> -> memref<8x4992xf32, #tpu.memory_space<hbm>>
    %dma_wait3A_205 = tpu.memref_slice %arg7[%dma_wait3A_203] : memref<2x!tpu.dma_semaphore, #tpu.memory_space<semaphore_mem>> -> memref<1x!tpu.dma_semaphore, #tpu.memory_space<semaphore_mem>>
    %dma_wait3A_206 = tpu.memref_squeeze %dma_wait3A_205 : memref<1x!tpu.dma_semaphore, #tpu.memory_space<semaphore_mem>> -> memref<!tpu.dma_semaphore, #tpu.memory_space<semaphore_mem>>
    %dma_wait3A_207 = tpu.memref_slice %arg2[%mul3A_32, %add3A_202] : memref<128x100000xf32, #tpu.memory_space<hbm>> -> memref<8x4992xf32, #tpu.memory_space<hbm>>
    tpu.wait_dma2 semaphore(%dma_wait3A_206 : memref<!tpu.dma_semaphore, #tpu.memory_space<semaphore_mem>>) src(%dma_wait3A_207 : memref<8x4992xf32, #tpu.memory_space<hbm>>) dst(%arg4 : memref<8x4992xf32, #tpu.memory_space<vmem>>)
    %add3A_208 = arith.constant 29952 : i32
    %add3A_209 = arith.addi %mul3A_34, %add3A_208 : i32
    %dma_start3A_210 = arith.constant 0 : i32
    %dma_start3A_211 = tpu.memref_slice %arg3[%mul3A_32, %add3A_209] : memref<128x100000xf32, #tpu.memory_space<hbm>> -> memref<8x4992xf32, #tpu.memory_space<hbm>>
    %dma_start3A_212 = tpu.memref_slice %arg8[%dma_start3A_210] : memref<2x!tpu.dma_semaphore, #tpu.memory_space<semaphore_mem>> -> memref<1x!tpu.dma_semaphore, #tpu.memory_space<semaphore_mem>>
    %dma_start3A_213 = tpu.memref_squeeze %dma_start3A_212 : memref<1x!tpu.dma_semaphore, #tpu.memory_space<semaphore_mem>> -> memref<!tpu.dma_semaphore, #tpu.memory_space<semaphore_mem>>
    %dma_start3A_214 = tpu.memref_slice %arg3[%mul3A_32, %add3A_209] : memref<128x100000xf32, #tpu.memory_space<hbm>> -> memref<8x4992xf32, #tpu.memory_space<hbm>>
    tpu.enqueue_dma source(%arg4 : memref<8x4992xf32, #tpu.memory_space<vmem>>) target(%dma_start3A_214 : memref<8x4992xf32, #tpu.memory_space<hbm>>) target_semaphore(%dma_start3A_213 : memref<!tpu.dma_semaphore, #tpu.memory_space<semaphore_mem>>)
    %add3A_215 = arith.constant 24960 : i32
    %add3A_216 = arith.addi %mul3A_34, %add3A_215 : i32
    %dma_wait3A_217 = arith.constant 1 : i32
    %dma_wait3A_218 = tpu.memref_slice %arg3[%mul3A_32, %add3A_216] : memref<128x100000xf32, #tpu.memory_space<hbm>> -> memref<8x4992xf32, #tpu.memory_space<hbm>>
    %dma_wait3A_219 = tpu.memref_slice %arg8[%dma_wait3A_217] : memref<2x!tpu.dma_semaphore, #tpu.memory_space<semaphore_mem>> -> memref<1x!tpu.dma_semaphore, #tpu.memory_space<semaphore_mem>>
    %dma_wait3A_220 = tpu.memref_squeeze %dma_wait3A_219 : memref<1x!tpu.dma_semaphore, #tpu.memory_space<semaphore_mem>> -> memref<!tpu.dma_semaphore, #tpu.memory_space<semaphore_mem>>
    %dma_wait3A_221 = tpu.memref_slice %arg3[%mul3A_32, %add3A_216] : memref<128x100000xf32, #tpu.memory_space<hbm>> -> memref<8x4992xf32, #tpu.memory_space<hbm>>
    tpu.wait_dma2 semaphore(%dma_wait3A_220 : memref<!tpu.dma_semaphore, #tpu.memory_space<semaphore_mem>>) src(%arg5 : memref<8x4992xf32, #tpu.memory_space<vmem>>) dst(%dma_wait3A_221 : memref<8x4992xf32, #tpu.memory_space<hbm>>)
    %add3A_222 = arith.constant 34944 : i32
    %add3A_223 = arith.addi %mul3A_34, %add3A_222 : i32
    %dma_start3A_224 = arith.constant 1 : i32
    %dma_start3A_225 = tpu.memref_slice %arg2[%mul3A_32, %add3A_223] : memref<128x100000xf32, #tpu.memory_space<hbm>> -> memref<8x4992xf32, #tpu.memory_space<hbm>>
    %dma_start3A_226 = tpu.memref_slice %arg7[%dma_start3A_224] : memref<2x!tpu.dma_semaphore, #tpu.memory_space<semaphore_mem>> -> memref<1x!tpu.dma_semaphore, #tpu.memory_space<semaphore_mem>>
    %dma_start3A_227 = tpu.memref_squeeze %dma_start3A_226 : memref<1x!tpu.dma_semaphore, #tpu.memory_space<semaphore_mem>> -> memref<!tpu.dma_semaphore, #tpu.memory_space<semaphore_mem>>
    %dma_start3A_228 = tpu.memref_slice %arg2[%mul3A_32, %add3A_223] : memref<128x100000xf32, #tpu.memory_space<hbm>> -> memref<8x4992xf32, #tpu.memory_space<hbm>>
    tpu.enqueue_dma source(%dma_start3A_228 : memref<8x4992xf32, #tpu.memory_space<hbm>>) target(%arg5 : memref<8x4992xf32, #tpu.memory_space<vmem>>) target_semaphore(%dma_start3A_227 : memref<!tpu.dma_semaphore, #tpu.memory_space<semaphore_mem>>)
    %add3A_229 = arith.constant 34944 : i32
    %add3A_230 = arith.addi %mul3A_34, %add3A_229 : i32
    %dma_wait3A_231 = arith.constant 1 : i32
    %dma_wait3A_232 = tpu.memref_slice %arg2[%mul3A_32, %add3A_230] : memref<128x100000xf32, #tpu.memory_space<hbm>> -> memref<8x4992xf32, #tpu.memory_space<hbm>>
    %dma_wait3A_233 = tpu.memref_slice %arg7[%dma_wait3A_231] : memref<2x!tpu.dma_semaphore, #tpu.memory_space<semaphore_mem>> -> memref<1x!tpu.dma_semaphore, #tpu.memory_space<semaphore_mem>>
    %dma_wait3A_234 = tpu.memref_squeeze %dma_wait3A_233 : memref<1x!tpu.dma_semaphore, #tpu.memory_space<semaphore_mem>> -> memref<!tpu.dma_semaphore, #tpu.memory_space<semaphore_mem>>
    %dma_wait3A_235 = tpu.memref_slice %arg2[%mul3A_32, %add3A_230] : memref<128x100000xf32, #tpu.memory_space<hbm>> -> memref<8x4992xf32, #tpu.memory_space<hbm>>
    tpu.wait_dma2 semaphore(%dma_wait3A_234 : memref<!tpu.dma_semaphore, #tpu.memory_space<semaphore_mem>>) src(%dma_wait3A_235 : memref<8x4992xf32, #tpu.memory_space<hbm>>) dst(%arg5 : memref<8x4992xf32, #tpu.memory_space<vmem>>)
    %add3A_236 = arith.constant 34944 : i32
    %add3A_237 = arith.addi %mul3A_34, %add3A_236 : i32
    %dma_start3A_238 = arith.constant 1 : i32
    %dma_start3A_239 = tpu.memref_slice %arg3[%mul3A_32, %add3A_237] : memref<128x100000xf32, #tpu.memory_space<hbm>> -> memref<8x4992xf32, #tpu.memory_space<hbm>>
    %dma_start3A_240 = tpu.memref_slice %arg8[%dma_start3A_238] : memref<2x!tpu.dma_semaphore, #tpu.memory_space<semaphore_mem>> -> memref<1x!tpu.dma_semaphore, #tpu.memory_space<semaphore_mem>>
    %dma_start3A_241 = tpu.memref_squeeze %dma_start3A_240 : memref<1x!tpu.dma_semaphore, #tpu.memory_space<semaphore_mem>> -> memref<!tpu.dma_semaphore, #tpu.memory_space<semaphore_mem>>
    %dma_start3A_242 = tpu.memref_slice %arg3[%mul3A_32, %add3A_237] : memref<128x100000xf32, #tpu.memory_space<hbm>> -> memref<8x4992xf32, #tpu.memory_space<hbm>>
    tpu.enqueue_dma source(%arg5 : memref<8x4992xf32, #tpu.memory_space<vmem>>) target(%dma_start3A_242 : memref<8x4992xf32, #tpu.memory_space<hbm>>) target_semaphore(%dma_start3A_241 : memref<!tpu.dma_semaphore, #tpu.memory_space<semaphore_mem>>)
    %add3A_243 = arith.constant 29952 : i32
    %add3A_244 = arith.addi %mul3A_34, %add3A_243 : i32
    %dma_wait3A_245 = arith.constant 0 : i32
    %dma_wait3A_246 = tpu.memref_slice %arg3[%mul3A_32, %add3A_244] : memref<128x100000xf32, #tpu.memory_space<hbm>> -> memref<8x4992xf32, #tpu.memory_space<hbm>>
    %dma_wait3A_247 = tpu.memref_slice %arg8[%dma_wait3A_245] : memref<2x!tpu.dma_semaphore, #tpu.memory_space<semaphore_mem>> -> memref<1x!tpu.dma_semaphore, #tpu.memory_space<semaphore_mem>>
    %dma_wait3A_248 = tpu.memref_squeeze %dma_wait3A_247 : memref<1x!tpu.dma_semaphore, #tpu.memory_space<semaphore_mem>> -> memref<!tpu.dma_semaphore, #tpu.memory_space<semaphore_mem>>
    %dma_wait3A_249 = tpu.memref_slice %arg3[%mul3A_32, %add3A_244] : memref<128x100000xf32, #tpu.memory_space<hbm>> -> memref<8x4992xf32, #tpu.memory_space<hbm>>
    tpu.wait_dma2 semaphore(%dma_wait3A_248 : memref<!tpu.dma_semaphore, #tpu.memory_space<semaphore_mem>>) src(%arg4 : memref<8x4992xf32, #tpu.memory_space<vmem>>) dst(%dma_wait3A_249 : memref<8x4992xf32, #tpu.memory_space<hbm>>)
    %add3A_250 = arith.constant 39936 : i32
    %add3A_251 = arith.addi %mul3A_34, %add3A_250 : i32
    %dma_start3A_252 = arith.constant 0 : i32
    %dma_start3A_253 = tpu.memref_slice %arg2[%mul3A_32, %add3A_251] : memref<128x100000xf32, #tpu.memory_space<hbm>> -> memref<8x4992xf32, #tpu.memory_space<hbm>>
    %dma_start3A_254 = tpu.memref_slice %arg7[%dma_start3A_252] : memref<2x!tpu.dma_semaphore, #tpu.memory_space<semaphore_mem>> -> memref<1x!tpu.dma_semaphore, #tpu.memory_space<semaphore_mem>>
    %dma_start3A_255 = tpu.memref_squeeze %dma_start3A_254 : memref<1x!tpu.dma_semaphore, #tpu.memory_space<semaphore_mem>> -> memref<!tpu.dma_semaphore, #tpu.memory_space<semaphore_mem>>
    %dma_start3A_256 = tpu.memref_slice %arg2[%mul3A_32, %add3A_251] : memref<128x100000xf32, #tpu.memory_space<hbm>> -> memref<8x4992xf32, #tpu.memory_space<hbm>>
    tpu.enqueue_dma source(%dma_start3A_256 : memref<8x4992xf32, #tpu.memory_space<hbm>>) target(%arg4 : memref<8x4992xf32, #tpu.memory_space<vmem>>) target_semaphore(%dma_start3A_255 : memref<!tpu.dma_semaphore, #tpu.memory_space<semaphore_mem>>)
    %add3A_257 = arith.constant 39936 : i32
    %add3A_258 = arith.addi %mul3A_34, %add3A_257 : i32
    %dma_wait3A_259 = arith.constant 0 : i32
    %dma_wait3A_260 = tpu.memref_slice %arg2[%mul3A_32, %add3A_258] : memref<128x100000xf32, #tpu.memory_space<hbm>> -> memref<8x4992xf32, #tpu.memory_space<hbm>>
    %dma_wait3A_261 = tpu.memref_slice %arg7[%dma_wait3A_259] : memref<2x!tpu.dma_semaphore, #tpu.memory_space<semaphore_mem>> -> memref<1x!tpu.dma_semaphore, #tpu.memory_space<semaphore_mem>>
    %dma_wait3A_262 = tpu.memref_squeeze %dma_wait3A_261 : memref<1x!tpu.dma_semaphore, #tpu.memory_space<semaphore_mem>> -> memref<!tpu.dma_semaphore, #tpu.memory_space<semaphore_mem>>
    %dma_wait3A_263 = tpu.memref_slice %arg2[%mul3A_32, %add3A_258] : memref<128x100000xf32, #tpu.memory_space<hbm>> -> memref<8x4992xf32, #tpu.memory_space<hbm>>
    tpu.wait_dma2 semaphore(%dma_wait3A_262 : memref<!tpu.dma_semaphore, #tpu.memory_space<semaphore_mem>>) src(%dma_wait3A_263 : memref<8x4992xf32, #tpu.memory_space<hbm>>) dst(%arg4 : memref<8x4992xf32, #tpu.memory_space<vmem>>)
    %add3A_264 = arith.constant 39936 : i32
    %add3A_265 = arith.addi %mul3A_34, %add3A_264 : i32
    %dma_start3A_266 = arith.constant 0 : i32
    %dma_start3A_267 = tpu.memref_slice %arg3[%mul3A_32, %add3A_265] : memref<128x100000xf32, #tpu.memory_space<hbm>> -> memref<8x4992xf32, #tpu.memory_space<hbm>>
    %dma_start3A_268 = tpu.memref_slice %arg8[%dma_start3A_266] : memref<2x!tpu.dma_semaphore, #tpu.memory_space<semaphore_mem>> -> memref<1x!tpu.dma_semaphore, #tpu.memory_space<semaphore_mem>>
    %dma_start3A_269 = tpu.memref_squeeze %dma_start3A_268 : memref<1x!tpu.dma_semaphore, #tpu.memory_space<semaphore_mem>> -> memref<!tpu.dma_semaphore, #tpu.memory_space<semaphore_mem>>
    %dma_start3A_270 = tpu.memref_slice %arg3[%mul3A_32, %add3A_265] : memref<128x100000xf32, #tpu.memory_space<hbm>> -> memref<8x4992xf32, #tpu.memory_space<hbm>>
    tpu.enqueue_dma source(%arg4 : memref<8x4992xf32, #tpu.memory_space<vmem>>) target(%dma_start3A_270 : memref<8x4992xf32, #tpu.memory_space<hbm>>) target_semaphore(%dma_start3A_269 : memref<!tpu.dma_semaphore, #tpu.memory_space<semaphore_mem>>)
    %add3A_271 = arith.constant 34944 : i32
    %add3A_272 = arith.addi %mul3A_34, %add3A_271 : i32
    %dma_wait3A_273 = arith.constant 1 : i32
    %dma_wait3A_274 = tpu.memref_slice %arg3[%mul3A_32, %add3A_272] : memref<128x100000xf32, #tpu.memory_space<hbm>> -> memref<8x4992xf32, #tpu.memory_space<hbm>>
    %dma_wait3A_275 = tpu.memref_slice %arg8[%dma_wait3A_273] : memref<2x!tpu.dma_semaphore, #tpu.memory_space<semaphore_mem>> -> memref<1x!tpu.dma_semaphore, #tpu.memory_space<semaphore_mem>>
    %dma_wait3A_276 = tpu.memref_squeeze %dma_wait3A_275 : memref<1x!tpu.dma_semaphore, #tpu.memory_space<semaphore_mem>> -> memref<!tpu.dma_semaphore, #tpu.memory_space<semaphore_mem>>
    %dma_wait3A_277 = tpu.memref_slice %arg3[%mul3A_32, %add3A_272] : memref<128x100000xf32, #tpu.memory_space<hbm>> -> memref<8x4992xf32, #tpu.memory_space<hbm>>
    tpu.wait_dma2 semaphore(%dma_wait3A_276 : memref<!tpu.dma_semaphore, #tpu.memory_space<semaphore_mem>>) src(%arg5 : memref<8x4992xf32, #tpu.memory_space<vmem>>) dst(%dma_wait3A_277 : memref<8x4992xf32, #tpu.memory_space<hbm>>)
    %add3A_278 = arith.constant 44928 : i32
    %add3A_279 = arith.addi %mul3A_34, %add3A_278 : i32
    %dma_start3A_280 = arith.constant 1 : i32
    %dma_start3A_281 = tpu.memref_slice %arg2[%mul3A_32, %add3A_279] : memref<128x100000xf32, #tpu.memory_space<hbm>> -> memref<8x4992xf32, #tpu.memory_space<hbm>>
    %dma_start3A_282 = tpu.memref_slice %arg7[%dma_start3A_280] : memref<2x!tpu.dma_semaphore, #tpu.memory_space<semaphore_mem>> -> memref<1x!tpu.dma_semaphore, #tpu.memory_space<semaphore_mem>>
    %dma_start3A_283 = tpu.memref_squeeze %dma_start3A_282 : memref<1x!tpu.dma_semaphore, #tpu.memory_space<semaphore_mem>> -> memref<!tpu.dma_semaphore, #tpu.memory_space<semaphore_mem>>
    %dma_start3A_284 = tpu.memref_slice %arg2[%mul3A_32, %add3A_279] : memref<128x100000xf32, #tpu.memory_space<hbm>> -> memref<8x4992xf32, #tpu.memory_space<hbm>>
    tpu.enqueue_dma source(%dma_start3A_284 : memref<8x4992xf32, #tpu.memory_space<hbm>>) target(%arg5 : memref<8x4992xf32, #tpu.memory_space<vmem>>) target_semaphore(%dma_start3A_283 : memref<!tpu.dma_semaphore, #tpu.memory_space<semaphore_mem>>)
    %add3A_285 = arith.constant 44928 : i32
    %add3A_286 = arith.addi %mul3A_34, %add3A_285 : i32
    %dma_wait3A_287 = arith.constant 1 : i32
    %dma_wait3A_288 = tpu.memref_slice %arg2[%mul3A_32, %add3A_286] : memref<128x100000xf32, #tpu.memory_space<hbm>> -> memref<8x4992xf32, #tpu.memory_space<hbm>>
    %dma_wait3A_289 = tpu.memref_slice %arg7[%dma_wait3A_287] : memref<2x!tpu.dma_semaphore, #tpu.memory_space<semaphore_mem>> -> memref<1x!tpu.dma_semaphore, #tpu.memory_space<semaphore_mem>>
    %dma_wait3A_290 = tpu.memref_squeeze %dma_wait3A_289 : memref<1x!tpu.dma_semaphore, #tpu.memory_space<semaphore_mem>> -> memref<!tpu.dma_semaphore, #tpu.memory_space<semaphore_mem>>
    %dma_wait3A_291 = tpu.memref_slice %arg2[%mul3A_32, %add3A_286] : memref<128x100000xf32, #tpu.memory_space<hbm>> -> memref<8x4992xf32, #tpu.memory_space<hbm>>
    tpu.wait_dma2 semaphore(%dma_wait3A_290 : memref<!tpu.dma_semaphore, #tpu.memory_space<semaphore_mem>>) src(%dma_wait3A_291 : memref<8x4992xf32, #tpu.memory_space<hbm>>) dst(%arg5 : memref<8x4992xf32, #tpu.memory_space<vmem>>)
    %add3A_292 = arith.constant 44928 : i32
    %add3A_293 = arith.addi %mul3A_34, %add3A_292 : i32
    %dma_start3A_294 = arith.constant 1 : i32
    %dma_start3A_295 = tpu.memref_slice %arg3[%mul3A_32, %add3A_293] : memref<128x100000xf32, #tpu.memory_space<hbm>> -> memref<8x4992xf32, #tpu.memory_space<hbm>>
    %dma_start3A_296 = tpu.memref_slice %arg8[%dma_start3A_294] : memref<2x!tpu.dma_semaphore, #tpu.memory_space<semaphore_mem>> -> memref<1x!tpu.dma_semaphore, #tpu.memory_space<semaphore_mem>>
    %dma_start3A_297 = tpu.memref_squeeze %dma_start3A_296 : memref<1x!tpu.dma_semaphore, #tpu.memory_space<semaphore_mem>> -> memref<!tpu.dma_semaphore, #tpu.memory_space<semaphore_mem>>
    %dma_start3A_298 = tpu.memref_slice %arg3[%mul3A_32, %add3A_293] : memref<128x100000xf32, #tpu.memory_space<hbm>> -> memref<8x4992xf32, #tpu.memory_space<hbm>>
    tpu.enqueue_dma source(%arg5 : memref<8x4992xf32, #tpu.memory_space<vmem>>) target(%dma_start3A_298 : memref<8x4992xf32, #tpu.memory_space<hbm>>) target_semaphore(%dma_start3A_297 : memref<!tpu.dma_semaphore, #tpu.memory_space<semaphore_mem>>)
    %add3A_299 = arith.constant 39936 : i32
    %add3A_300 = arith.addi %mul3A_34, %add3A_299 : i32
    %dma_wait3A_301 = arith.constant 0 : i32
    %dma_wait3A_302 = tpu.memref_slice %arg3[%mul3A_32, %add3A_300] : memref<128x100000xf32, #tpu.memory_space<hbm>> -> memref<8x4992xf32, #tpu.memory_space<hbm>>
    %dma_wait3A_303 = tpu.memref_slice %arg8[%dma_wait3A_301] : memref<2x!tpu.dma_semaphore, #tpu.memory_space<semaphore_mem>> -> memref<1x!tpu.dma_semaphore, #tpu.memory_space<semaphore_mem>>
    %dma_wait3A_304 = tpu.memref_squeeze %dma_wait3A_303 : memref<1x!tpu.dma_semaphore, #tpu.memory_space<semaphore_mem>> -> memref<!tpu.dma_semaphore, #tpu.memory_space<semaphore_mem>>
    %dma_wait3A_305 = tpu.memref_slice %arg3[%mul3A_32, %add3A_300] : memref<128x100000xf32, #tpu.memory_space<hbm>> -> memref<8x4992xf32, #tpu.memory_space<hbm>>
    tpu.wait_dma2 semaphore(%dma_wait3A_304 : memref<!tpu.dma_semaphore, #tpu.memory_space<semaphore_mem>>) src(%arg4 : memref<8x4992xf32, #tpu.memory_space<vmem>>) dst(%dma_wait3A_305 : memref<8x4992xf32, #tpu.memory_space<hbm>>)
    %add3A_306 = arith.constant 44928 : i32
    %add3A_307 = arith.addi %mul3A_34, %add3A_306 : i32
    %dma_wait3A_308 = arith.constant 1 : i32
    %dma_wait3A_309 = tpu.memref_slice %arg3[%mul3A_32, %add3A_307] : memref<128x100000xf32, #tpu.memory_space<hbm>> -> memref<8x4992xf32, #tpu.memory_space<hbm>>
    %dma_wait3A_310 = tpu.memref_slice %arg8[%dma_wait3A_308] : memref<2x!tpu.dma_semaphore, #tpu.memory_space<semaphore_mem>> -> memref<1x!tpu.dma_semaphore, #tpu.memory_space<semaphore_mem>>
    %dma_wait3A_311 = tpu.memref_squeeze %dma_wait3A_310 : memref<1x!tpu.dma_semaphore, #tpu.memory_space<semaphore_mem>> -> memref<!tpu.dma_semaphore, #tpu.memory_space<semaphore_mem>>
    %dma_wait3A_312 = tpu.memref_slice %arg3[%mul3A_32, %add3A_307] : memref<128x100000xf32, #tpu.memory_space<hbm>> -> memref<8x4992xf32, #tpu.memory_space<hbm>>
    tpu.wait_dma2 semaphore(%dma_wait3A_311 : memref<!tpu.dma_semaphore, #tpu.memory_space<semaphore_mem>>) src(%arg5 : memref<8x4992xf32, #tpu.memory_space<vmem>>) dst(%dma_wait3A_312 : memref<8x4992xf32, #tpu.memory_space<hbm>>)
    %eq3A_313 = arith.constant 1 : i32
    %eq3A_314 = arith.cmpi eq, %select_n3A_30, %eq3A_313 : i32
    %convert_element_type3A = arith.extui %eq3A_314 : i1 to i32
    %cond3A = arith.constant 0 : i32
    %cond3A_315 = arith.cmpi ne, %convert_element_type3A, %cond3A : i32
    scf.if %cond3A_315 {
      %dma_start3A_316 = arith.constant 0 : i32
      %dma_start3A_317 = arith.constant 99840 : i32
      %dma_start3A_318 = tpu.memref_slice %arg2[%mul3A_32, %dma_start3A_317] : memref<128x100000xf32, #tpu.memory_space<hbm>> -> memref<8x160xf32, #tpu.memory_space<hbm>>
      %dma_start3A_319 = tpu.memref_slice %arg7[%dma_start3A_316] : memref<2x!tpu.dma_semaphore, #tpu.memory_space<semaphore_mem>> -> memref<1x!tpu.dma_semaphore, #tpu.memory_space<semaphore_mem>>
      %dma_start3A_320 = tpu.memref_squeeze %dma_start3A_319 : memref<1x!tpu.dma_semaphore, #tpu.memory_space<semaphore_mem>> -> memref<!tpu.dma_semaphore, #tpu.memory_space<semaphore_mem>>
      %dma_start3A_321 = arith.constant 99840 : i32
      %dma_start3A_322 = tpu.memref_slice %arg2[%mul3A_32, %dma_start3A_321] : memref<128x100000xf32, #tpu.memory_space<hbm>> -> memref<8x160xf32, #tpu.memory_space<hbm>>
      tpu.enqueue_dma source(%dma_start3A_322 : memref<8x160xf32, #tpu.memory_space<hbm>>) target(%arg6 : memref<8x160xf32, #tpu.memory_space<vmem>>) target_semaphore(%dma_start3A_320 : memref<!tpu.dma_semaphore, #tpu.memory_space<semaphore_mem>>)
      %dma_wait3A_323 = arith.constant 0 : i32
      %dma_wait3A_324 = arith.constant 99840 : i32
      %dma_wait3A_325 = tpu.memref_slice %arg2[%mul3A_32, %dma_wait3A_324] : memref<128x100000xf32, #tpu.memory_space<hbm>> -> memref<8x160xf32, #tpu.memory_space<hbm>>
      %dma_wait3A_326 = tpu.memref_slice %arg7[%dma_wait3A_323] : memref<2x!tpu.dma_semaphore, #tpu.memory_space<semaphore_mem>> -> memref<1x!tpu.dma_semaphore, #tpu.memory_space<semaphore_mem>>
      %dma_wait3A_327 = tpu.memref_squeeze %dma_wait3A_326 : memref<1x!tpu.dma_semaphore, #tpu.memory_space<semaphore_mem>> -> memref<!tpu.dma_semaphore, #tpu.memory_space<semaphore_mem>>
      %dma_wait3A_328 = arith.constant 99840 : i32
      %dma_wait3A_329 = tpu.memref_slice %arg2[%mul3A_32, %dma_wait3A_328] : memref<128x100000xf32, #tpu.memory_space<hbm>> -> memref<8x160xf32, #tpu.memory_space<hbm>>
      tpu.wait_dma2 semaphore(%dma_wait3A_327 : memref<!tpu.dma_semaphore, #tpu.memory_space<semaphore_mem>>) src(%dma_wait3A_329 : memref<8x160xf32, #tpu.memory_space<hbm>>) dst(%arg6 : memref<8x160xf32, #tpu.memory_space<vmem>>)
      %dma_start3A_330 = arith.constant 0 : i32
      %dma_start3A_331 = arith.constant 99840 : i32
      %dma_start3A_332 = tpu.memref_slice %arg3[%mul3A_32, %dma_start3A_331] : memref<128x100000xf32, #tpu.memory_space<hbm>> -> memref<8x160xf32, #tpu.memory_space<hbm>>
      %dma_start3A_333 = tpu.memref_slice %arg8[%dma_start3A_330] : memref<2x!tpu.dma_semaphore, #tpu.memory_space<semaphore_mem>> -> memref<1x!tpu.dma_semaphore, #tpu.memory_space<semaphore_mem>>
      %dma_start3A_334 = tpu.memref_squeeze %dma_start3A_333 : memref<1x!tpu.dma_semaphore, #tpu.memory_space<semaphore_mem>> -> memref<!tpu.dma_semaphore, #tpu.memory_space<semaphore_mem>>
      %dma_start3A_335 = arith.constant 99840 : i32
      %dma_start3A_336 = tpu.memref_slice %arg3[%mul3A_32, %dma_start3A_335] : memref<128x100000xf32, #tpu.memory_space<hbm>> -> memref<8x160xf32, #tpu.memory_space<hbm>>
      tpu.enqueue_dma source(%arg6 : memref<8x160xf32, #tpu.memory_space<vmem>>) target(%dma_start3A_336 : memref<8x160xf32, #tpu.memory_space<hbm>>) target_semaphore(%dma_start3A_334 : memref<!tpu.dma_semaphore, #tpu.memory_space<semaphore_mem>>)
      %dma_wait3A_337 = arith.constant 0 : i32
      %dma_wait3A_338 = arith.constant 99840 : i32
      %dma_wait3A_339 = tpu.memref_slice %arg3[%mul3A_32, %dma_wait3A_338] : memref<128x100000xf32, #tpu.memory_space<hbm>> -> memref<8x160xf32, #tpu.memory_space<hbm>>
      %dma_wait3A_340 = tpu.memref_slice %arg8[%dma_wait3A_337] : memref<2x!tpu.dma_semaphore, #tpu.memory_space<semaphore_mem>> -> memref<1x!tpu.dma_semaphore, #tpu.memory_space<semaphore_mem>>
      %dma_wait3A_341 = tpu.memref_squeeze %dma_wait3A_340 : memref<1x!tpu.dma_semaphore, #tpu.memory_space<semaphore_mem>> -> memref<!tpu.dma_semaphore, #tpu.memory_space<semaphore_mem>>
      %dma_wait3A_342 = arith.constant 99840 : i32
      %dma_wait3A_343 = tpu.memref_slice %arg3[%mul3A_32, %dma_wait3A_342] : memref<128x100000xf32, #tpu.memory_space<hbm>> -> memref<8x160xf32, #tpu.memory_space<hbm>>
      tpu.wait_dma2 semaphore(%dma_wait3A_341 : memref<!tpu.dma_semaphore, #tpu.memory_space<semaphore_mem>>) src(%arg6 : memref<8x160xf32, #tpu.memory_space<vmem>>) dst(%dma_wait3A_343 : memref<8x160xf32, #tpu.memory_space<hbm>>)
    } else {
    }
    return
  }
}

module attributes {stable_mosaic.version = 14 : i64} {
  func.func @_argmax_body(%arg0: i32, %arg1: memref<128x8192xf32, #tpu.memory_space<vmem>>, %arg2: memref<128x1xi32, #tpu.memory_space<vmem>>, %arg3: memref<128x1xf32, #tpu.memory_space<vmem>>, %arg4: memref<128x1xi32, #tpu.memory_space<vmem>>) attributes {dimension_semantics = [#tpu.dimension_semantics<arbitrary>], iteration_bounds = array<i64: 13>, scalar_prefetch = 0 : i64, scratch_operands = 2 : i64, tpu.core_type = #tpu.core_type<tc>, window_params = [{transform_indices = @transform_0, window_bounds = array<i64: 128, 8192>}, {pipeline_mode = #tpu.pipeline_mode<synchronous>, transform_indices = @transform_1, window_bounds = array<i64: 128, 1>}]} {
    %eq3A = arith.constant 0 : i32
    %eq3A_0 = arith.cmpi eq, %arg0, %eq3A : i32
    %convert_element_type3A = arith.extui %eq3A_0 : i1 to i32
    %cond3A = arith.constant 0 : i32
    %cond3A_1 = arith.cmpi ne, %convert_element_type3A, %cond3A : i32
    scf.if %cond3A_1 {
      %broadcast_in_dim3A_42 = arith.constant 0xFF800000 : f32
      %broadcast_in_dim3A_43 = vector.broadcast %broadcast_in_dim3A_42 : f32 to vector<128x1xf32>
      %swap3A_44 = arith.constant 0 : index
      %swap3A_45 = arith.constant 0 : index
      %swap3A_46 = vector.load %arg3[%swap3A_44, %swap3A_45] : memref<128x1xf32, #tpu.memory_space<vmem>>, vector<128x1xf32>
      tpu.vector_store %arg3[%swap3A_44, %swap3A_45], %broadcast_in_dim3A_43 {strides = array<i32>} : memref<128x1xf32, #tpu.memory_space<vmem>>, vector<128x1xf32>,
      %broadcast_in_dim3A_47 = arith.constant 0 : i32
      %broadcast_in_dim3A_48 = vector.broadcast %broadcast_in_dim3A_47 : i32 to vector<128x1xi32>
      %swap3A_49 = arith.constant 0 : index
      %swap3A_50 = arith.constant 0 : index
      %swap3A_51 = vector.load %arg4[%swap3A_49, %swap3A_50] : memref<128x1xi32, #tpu.memory_space<vmem>>, vector<128x1xi32>
      tpu.vector_store %arg4[%swap3A_49, %swap3A_50], %broadcast_in_dim3A_48 {strides = array<i32>} : memref<128x1xi32, #tpu.memory_space<vmem>>, vector<128x1xi32>,
    } else {
    }
    %get3A = arith.constant 0 : index
    %get3A_2 = arith.constant 0 : index
    %get3A_3 = vector.load %arg1[%get3A, %get3A_2] : memref<128x8192xf32, #tpu.memory_space<vmem>>, vector<128x8192xf32>
    %iota3A = tpu.iota {dimensions = array<i32: 1>} : vector<128x8192xi32>
    %mul3A = arith.constant 8192 : i32
    %mul3A_4 = arith.muli %arg0, %mul3A : i32
    %add3A = vector.broadcast %mul3A_4 : i32 to vector<128x8192xi32>
    %add3A_5 = arith.addi %iota3A, %add3A : vector<128x8192xi32>
    %lt3A = arith.constant 100000 : i32
    %lt3A_6 = vector.broadcast %lt3A : i32 to vector<128x8192xi32>
    %lt3A_7 = arith.cmpi slt, %add3A_5, %lt3A_6 : vector<128x8192xi32>
    %jit3A = arith.constant 0xFF800000 : f32
    %broadcast_in_dim3A = vector.broadcast %jit3A : f32 to vector<128x8192xf32>
    %select_n3A = arith.select %lt3A_7, %get3A_3, %broadcast_in_dim3A : vector<128x8192xi1>, vector<128x8192xf32>
    %reduce_max3A = arith.constant dense<0xFF800000> : vector<128xf32>
    %reduce_max3A_8 = vector.multi_reduction <maximumf>, %select_n3A, %reduce_max3A [1] : vector<128x8192xf32> to vector<128xf32>
    %broadcast_in_dim3A_9 = vector.shape_cast %reduce_max3A_8 : vector<128xf32> to vector<128x1xf32>
    %eq3A_10 = vector.broadcast %broadcast_in_dim3A_9 : vector<128x1xf32> to vector<128x8192xf32>
    %eq3A_11 = arith.cmpf oeq, %select_n3A, %eq3A_10 : vector<128x8192xf32>
    %mul3A_12 = arith.constant 8192 : i32
    %mul3A_13 = arith.muli %arg0, %mul3A_12 : i32
    %add3A_14 = vector.broadcast %mul3A_13 : i32 to vector<128x8192xi32>
    %add3A_15 = arith.addi %iota3A, %add3A_14 : vector<128x8192xi32>
    %jit3A_16 = arith.constant 100000 : i32
    %broadcast_in_dim3A_17 = vector.broadcast %jit3A_16 : i32 to vector<128x8192xi32>
    %select_n3A_18 = arith.select %eq3A_11, %add3A_15, %broadcast_in_dim3A_17 : vector<128x8192xi1>, vector<128x8192xi32>
    %reduce_min3A = arith.constant dense<2147483647> : vector<128xi32>
    %reduce_min3A_19 = vector.multi_reduction <minsi>, %select_n3A_18, %reduce_min3A [1] : vector<128x8192xi32> to vector<128xi32>
    %broadcast_in_dim3A_20 = vector.shape_cast %reduce_min3A_19 : vector<128xi32> to vector<128x1xi32>
    %get3A_21 = arith.constant 0 : index
    %get3A_22 = arith.constant 0 : index
    %get3A_23 = vector.load %arg3[%get3A_21, %get3A_22] : memref<128x1xf32, #tpu.memory_space<vmem>>, vector<128x1xf32>
    %gt3A = arith.cmpf ogt, %broadcast_in_dim3A_9, %get3A_23 : vector<128x1xf32>
    %get3A_24 = arith.constant 0 : index
    %get3A_25 = arith.constant 0 : index
    %get3A_26 = vector.load %arg4[%get3A_24, %get3A_25] : memref<128x1xi32, #tpu.memory_space<vmem>>, vector<128x1xi32>
    %select_n3A_27 = arith.select %gt3A, %broadcast_in_dim3A_20, %get3A_26 : vector<128x1xi1>, vector<128x1xi32>
    %swap3A = arith.constant 0 : index
    %swap3A_28 = arith.constant 0 : index
    %swap3A_29 = vector.load %arg4[%swap3A, %swap3A_28] : memref<128x1xi32, #tpu.memory_space<vmem>>, vector<128x1xi32>
    tpu.vector_store %arg4[%swap3A, %swap3A_28], %select_n3A_27 {strides = array<i32>} : memref<128x1xi32, #tpu.memory_space<vmem>>, vector<128x1xi32>,
    %get3A_30 = arith.constant 0 : index
    %get3A_31 = arith.constant 0 : index
    %get3A_32 = vector.load %arg3[%get3A_30, %get3A_31] : memref<128x1xf32, #tpu.memory_space<vmem>>, vector<128x1xf32>
    %select_n3A_33 = arith.select %gt3A, %broadcast_in_dim3A_9, %get3A_32 : vector<128x1xi1>, vector<128x1xf32>
    %swap3A_34 = arith.constant 0 : index
    %swap3A_35 = arith.constant 0 : index
    %swap3A_36 = vector.load %arg3[%swap3A_34, %swap3A_35] : memref<128x1xf32, #tpu.memory_space<vmem>>, vector<128x1xf32>
    tpu.vector_store %arg3[%swap3A_34, %swap3A_35], %select_n3A_33 {strides = array<i32>} : memref<128x1xf32, #tpu.memory_space<vmem>>, vector<128x1xf32>,
    %eq3A_37 = arith.constant 12 : i32
    %eq3A_38 = arith.cmpi eq, %arg0, %eq3A_37 : i32
    %convert_element_type3A_39 = arith.extui %eq3A_38 : i1 to i32
    %cond3A_40 = arith.constant 0 : i32
    %cond3A_41 = arith.cmpi ne, %convert_element_type3A_39, %cond3A_40 : i32
    scf.if %cond3A_41 {
      %get3A_42 = arith.constant 0 : index
      %get3A_43 = arith.constant 0 : index
      %get3A_44 = vector.load %arg4[%get3A_42, %get3A_43] : memref<128x1xi32, #tpu.memory_space<vmem>>, vector<128x1xi32>
      %swap3A_45 = arith.constant 0 : index
      %swap3A_46 = arith.constant 0 : index
      %swap3A_47 = vector.load %arg2[%swap3A_45, %swap3A_46] : memref<128x1xi32, #tpu.memory_space<vmem>>, vector<128x1xi32>
      tpu.vector_store %arg2[%swap3A_45, %swap3A_46], %get3A_44 {strides = array<i32>} : memref<128x1xi32, #tpu.memory_space<vmem>>, vector<128x1xi32>,
    } else {
    }
    return
  }
  func.func @transform_0(%arg0: i32) -> (i32, i32) {
    %c0_i32 = arith.constant 0 : i32
    %c0_i32_0 = arith.constant 0 : i32
    return %c0_i32, %arg0 : i32, i32
  }
  func.func @transform_1(%arg0: i32) -> (i32, i32) {
    %c0_i32 = arith.constant 0 : i32
    %c0_i32_0 = arith.constant 0 : i32
    %c0_i32_1 = arith.constant 0 : i32
    return %c0_i32, %c0_i32_0 : i32, i32
  }
}

</mosaic_0001>

<sc_bundles>
// kernel: kernel.4.cloned.1.call-start
scs
__scs_entry_jumppad:
0x0: {  	(pc) =	sbr.rel $0x88, $3  }
0x1: {  	(tag) =	ssettag $0x0;
	lr =	simm.s32 $0x1  }
0x2: {  	[smem:$0x3F9F] =	sst lr;
	_ =	strace $0xD0000000  }
0x3: {  	_ = 	snop  }
0x4: {  	_ = 	snop  }
0x5: {  	_ = 	snop  }
0x6: {  	_ = 	snop  }
0x7: {  	_ = 	snop  }
__scs_overlays_trampoline_lowered:
0x8: {  	[smem:$0x3FAE] =	sst s0  }
0x9: {  	[smem:$0x3FAF] =	sst s1  }
0xa: {  	[smem:$0x3FB0] =	sst s2  }
0xb: {  	[smem:$0x3FB1] =	sst s3  }
0xc: {  	[smem:$0x3FB2] =	sst s4  }
0xd: {  	[smem:$0x3FB3] =	sst s5  }
0xe: {  	[smem:$0x3FB4] =	sst s6  }
0xf: {  	[smem:$0x3FB5] =	sst s7  }
0x10: {  	[smem:$0x3FB6] =	sst s8  }
0x11: {  	[smem:$0x3FB7] =	sst s9;
	s0 =	simm.s32 @!p0 $0x0  }
0x12: {  	s1 =	sld [smem:$0x3F9D];
	s0 =	simm.s32 @p0 $0x1  }
0x13: {  	[smem:$0x3FB8] =	sst s0;
	s0 =	simm.s32 @!p1 $0x0  }
0x14: {  	s2 =	sld [smem:$0x3F9C];
	s0 =	simm.s32 @p1 $0x1  }
0x15: {  	[smem:$0x3FB9] =	sst s0;
	s0 =	simm.s32 @!p2 $0x0  }
0x16: {  	s3 =	sld [smem:$0x3FDB];
	s0 =	simm.s32 @p2 $0x1  }
0x17: {  	s4 =	simm.s32 $0x1BF5;
	[smem:$0x3FBB] =	sst s0  }
0x18: {  	s0 =	sld [smem:$0x3F9E];
	_ =	swait.ge [sflag:s4], $0x0  }
0x19: {  	s7 =	sld [smem:$0x3F9F]  }
0x1a: {  	s8 =	sadd.s32 $0xFFFFE003, lr  }
0x1b: {  	s9 =	sadd.s32 $0xFFFFFEF7, lr;
	s5 =	simm.s32 $0xFFFFFFFF;
	p2 =	slt.u32 s8, $0xFFFFF086  }
0x1c: {  	p1 =	slt.u32 s9, $0xF7A;
	s5 =	simm.s32 @!p2 $0x0  }
0x1d: {  	s5 =	simm.s32 @p1 $0x1;
	p0 =	seq.s32 s7, s2  }
0x1e: {  	s7 =	smul.u32 @!p0 $0xF7A, s2;
	p2 =	seq.s32 @!p0 s5, $0x0  }
0x1f: {  	s9 =	smul.u32 $0xF7A, s1;
	s8 =	simm.s32 @!p0 $0x1BF5;
	p2 =	por !p2, p0  }
0x20: {  	[sflag:s8] =	ssyncset.s32 @!p0 $0xFFFFF086;
	s6 =	sadd.s32 @!p0 s3, s7;
	s7 =	simm.s32 @!p0 $0x108  }
0x21: {  	s3 =	sadd.s32 s3, s9;
	s6 =	sadd.s32 @!p0 $0x88, s6;
	s7 =	simm.s32 @p2 $0x1082  }
0x22: {  	[simem:s7], [sflag:s8] =	dma.local @!p0 [hbm:s6], $0xF7A  }
0x23: {  	s9 =	sor.u32 $0xD0000000, s2;
	s6 =	simm.s32 $0x108;
	_ =	swait.ge @!p0 [sflag:s8], $0x0  }
0x24: {  	s3 =	sadd.s32 $0x88, s3;
	s6 =	simm.s32 @!p1 $0x1082;
	[sflag:s4] =	ssyncset.s32 $0xFFFFF086  }
0x25: {  	[simem:s6], [sflag:s4] =	dma.local [hbm:s3], $0xF7A  }
0x26: {  	[smem:$0x3F9F] =	sst s1;
	(tag) =	ssettag s2;
	_ =	strace s9  }
0x27: {  	s1 =	sld [smem:$0x3FAF]  }
0x28: {  	s2 =	sld [smem:$0x3FB0]  }
0x29: {  	s4 =	sld [smem:$0x3FB2]  }
0x2a: {  	p0 =	seq.s32 s5, $0x0;
	s5 =	sld [smem:$0x3FB3]  }
0x2b: {  	s6 =	sld [smem:$0x3FB4]  }
0x2c: {  	s7 =	sld [smem:$0x3FB5]  }
0x2d: {  	s3 =	simm.s32 $0x108;
	s8 =	sld [smem:$0x3FB6]  }
0x2e: {  	s3 =	simm.s32 @!p0 $0x1082;
	s9 =	sld [smem:$0x3FB7]  }
0x2f: {  	lr =	sadd.s32 s0, s3;
	s0 =	sld [smem:$0x3FAE]  }
0x30: {  	s3 =	sld [smem:$0x3FB1]  }
0x31: {  	[smem:$0x3FBA] =	sst s10  }
0x32: {  	s10 =	sld [smem:$0x3FB8];
	_ =	sdelay $0x3  }
0x33: {  	p0 =	seq.s32 s10, $0x1;
	s10 =	sld [smem:$0x3FBA];
	_ =	sdelay $0x3  }
0x34: {  	[smem:$0x3FBA] =	sst s10  }
0x35: {  	s10 =	sld [smem:$0x3FB9];
	_ =	sdelay $0x3  }
0x36: {  	p1 =	seq.s32 s10, $0x1;
	s10 =	sld [smem:$0x3FBA];
	_ =	sdelay $0x3  }
0x37: {  	[smem:$0x3FBA] =	sst s10  }
0x38: {  	s10 =	sld [smem:$0x3FBB]  }
0x39: {  	_ = 	snop;
	(pc) =	sbr.ind lr, $3  }
0x3a: {  	_ = 	snop  }
0x3b: {  	_ = 	snop  }
0x3c: {  	p2 =	seq.s32 s10, $0x1;
	s10 =	sld [smem:$0x3FBA]  }
0x3d: {  	_ =	shalt  }
0x3e: {  	_ =	shalt  }
0x3f: {  	_ =	shalt  }
0x40: {  	_ =	shalt  }
0x41: {  	_ =	shalt  }
0x42: {  	_ =	shalt  }
0x43: {  	_ =	shalt  }
0x44: {  	_ =	shalt  }
0x45: {  	_ =	shalt  }
0x46: {  	_ =	shalt  }
0x47: {  	_ =	shalt  }
0x48: {  	_ =	shalt  }
0x49: {  	_ =	shalt  }
0x4a: {  	_ =	shalt  }
0x4b: {  	_ =	shalt  }
0x4c: {  	_ =	shalt  }
0x4d: {  	_ =	shalt  }
0x4e: {  	_ =	shalt  }
0x4f: {  	_ =	shalt  }
0x50: {  	_ =	shalt  }
0x51: {  	_ =	shalt  }
0x52: {  	_ =	shalt  }
0x53: {  	_ =	shalt  }
0x54: {  	_ =	shalt  }
0x55: {  	_ =	shalt  }
0x56: {  	_ =	shalt  }
0x57: {  	_ =	shalt  }
0x58: {  	_ =	shalt  }
0x59: {  	_ =	shalt  }
0x5a: {  	_ =	shalt  }
0x5b: {  	_ =	shalt  }
0x5c: {  	_ =	shalt  }
0x5d: {  	_ =	shalt  }
0x5e: {  	_ =	shalt  }
0x5f: {  	_ =	shalt  }
0x60: {  	_ =	shalt  }
0x61: {  	_ =	shalt  }
0x62: {  	_ =	shalt  }
0x63: {  	_ =	shalt  }
0x64: {  	_ =	shalt  }
0x65: {  	_ =	shalt  }
0x66: {  	_ =	shalt  }
0x67: {  	_ =	shalt  }
0x68: {  	_ =	shalt  }
0x69: {  	_ =	shalt  }
0x6a: {  	_ =	shalt  }
0x6b: {  	_ =	shalt  }
0x6c: {  	_ =	shalt  }
0x6d: {  	_ =	shalt  }
0x6e: {  	_ =	shalt  }
0x6f: {  	_ =	shalt  }
0x70: {  	_ =	shalt  }
0x71: {  	_ =	shalt  }
0x72: {  	_ =	shalt  }
0x73: {  	_ =	shalt  }
0x74: {  	_ =	shalt  }
0x75: {  	_ =	shalt  }
0x76: {  	_ =	shalt  }
0x77: {  	_ =	shalt  }
0x78: {  	_ =	shalt  }
0x79: {  	_ =	shalt  }
0x7a: {  	_ =	shalt  }
0x7b: {  	_ =	shalt  }
0x7c: {  	_ =	shalt  }
0x7d: {  	_ =	shalt  }
0x7e: {  	_ =	shalt  }
0x7f: {  	_ =	shalt  }
0x80: {  	_ =	shalt  }
0x81: {  	_ =	shalt  }
0x82: {  	_ =	shalt  }
0x83: {  	_ =	shalt  }
0x84: {  	_ =	shalt  }
0x85: {  	_ =	shalt  }
0x86: {  	_ =	shalt  }
0x87: {  	_ =	shalt  }
.Lfunc_end0:
.L_simem_size_0:
called_computation_lowered:
.L_overlay_start_0:
0x88: {  	s2 =	sld [smem:$0x3FD9]  }
0x89: {  	s3 =	sld [smem:$0x3FFE];
	_ =	sdelay $0x1  }
0x8a: {  	s1 =	srdreg.scid  }
0x8b: {  	s0 =	sand.u32 $0x1, s1  }
0x8c: {  	s16 =	sshll.u32 s0, $0xA;
	s2 =	sadd.s32 s3, s2  }
0x8d: {  	s2 =	sadd.s32 s2, s16  }
0x8e: {  	[smem:$0x3FC6] =	sst s2  }
0x8f: {  	_ = 	snop  }
0x90: {  	(tm) =	ssettm $0x1  }
0x91: {  	s17 =	sld [smem:$0x3FFB];
	_ =	sdelay $0x3  }
0x92: {  	_ =	strace s17  }
0x93: {  	s2 =	sld [smem:$0x3FFC];
	_ =	sdelay $0x3  }
0x94: {  	_ =	strace s2  }
0x95: {  	s2 =	sld [smem:$0x3FFD];
	_ =	sdelay $0x3  }
0x96: {  	_ =	strace s2  }
0x97: {  	_ =	strace $0x8FFFFFFF  }
0x98: {  	s18 =	sld [smem:$0x3FDB];
	_ =	sdelay $0x1  }
0x99: {  	s19 =	simm.s32 $_scs_section_size  }
0x9a: {  	s4 =	simm.s32 $_size__tile_overlayer_lowered;
	s5 =	simm.s32 $_tile_overlayer_lowered  }
0x9b: {  	s22 =	simm.s32 $0x1BFF;
	s21 =	sshll.u32 s5, $0x1;
	s2 =	sadd.s32 s19, s18  }
0x9c: {  	s6 =	simm.s32 $0x0;
	s20 =	sshll.u32 s4, $0x1;
	s4 =	sadd.s32 s21, s2  }
0x9d: {  	[timem:s6], [sflag:s22] =	dma.local [hbm:s4], s20  }
0x9e: {  	_ =	swait.ge [sflag:s22], s20  }
0x9f: {  	s3 =	ssub.s32 $0x0, s20;
	[sflag:s22] =	ssyncset.done $0x0  }
0xa0: {  	[sflag:s22] =	ssyncadd.s32 s3;
	_ =	sdelay $0x1  }
0xa1: {  	s23 =	simm.s32 $0x1B8B  }
0xa2: {  	_ =	swait.ge [sflag:s23], $0x1  }
0xa3: {  	[sflag:s23] =	ssyncset.done $0x0  }
0xa4: {  	s25 =	simm.s32 $0x1B8E;
	s24 =	sld [smem:$0x3FFE];
	[sflag:s23] =	ssyncadd.s32 $0xFFFFFFFF  }
0xa5: {  	s26 =	simm.s32 $execute0_lowered;
	[smem:$0x3FD2] =	sst s25  }
0xa6: {  	s4 =	sshll.u32 s26, $0x1;
	_ =	strace $0x80000046;
	[dreg:$0x1] =	wrdreg $0xFFFFFFFF  }
0xa7: {  	s28 =	simm.s32 $_size_execute0_lowered;
	s2 =	sadd.s32 s2, s4;
	[dreg:$0x0] =	wrdreg $0x0  }
0xa8: {  	s4 =	sshll.u32 s28, $0x1;
	[dreg:$0x2] =	wrdreg s2  }
0xa9: {  	[dreg:$0x3] =	wrdreg s4  }
0xaa: {  	[dreg:$0x4] =	wrdreg $0xC0  }
0xab: {  	_ =	task [dreg:s6], $0x5FFFF  }
0xac: {  	[dreg:$0x1] =	wrdreg $0xFFFFFFFF  }
0xad: {  	[dreg:$0x0] =	wrdreg $0x60  }
0xae: {  	[dreg:$0x2] =	wrdreg s24  }
0xaf: {  	[dreg:$0x3] =	wrdreg $0x9  }
0xb0: {  	_ =	task.clear_ibuf [dreg:s6], $0x4FFFF;
	_ =	strace $0x90000046  }
0xb1: {  	s29 =	simm.s32 $0x9;
	_ =	strace $0x80000048  }
0xb2: {  	_ =	swait.ge [sflag:s29], $0x1  }
0xb3: {  	[sflag:s29] =	ssyncadd.s32 $0xFFFFFFFF  }
0xb4: {  	_ =	strace $0x90000048  }
0xb5: {  	_ =	sfence  }
0xb6: {  	s30 =	sld [smem:$0x0];
	_ =	sdelay $0x2  }
0xb7: {  	s31 =	sshll.u32 s1, $0xD;
	s1 =	sshrl.u32 s1, $0x2  }
0xb8: {  	s3 =	sand.u32 $0x4000, s31;
	s1 =	sadd.s32 s1, s30  }
0xb9: {  	s0 =	sor.u32 s3, s0;
	s1 =	sshll.u32 s1, $0x11  }
0xba: {  	s0 =	sor.u32 s1, s0  }
0xbb: {  	s0 =	sadd.s32 $0x8F2B, s0  }
0xbc: {  	[sflag:s0] =	ssyncadd.remote.s32 $0x1  }
0xbd: {  	_ =	sfence.sel $0xFFFF  }
0xbe: {  	[dreg:$0x0] =	wrdreg $0xFFFFFFFF;
	(pc) =	sbr.abs _section_cstart, $3  }
0xbf: {  	[dreg:$0x1] =	wrdreg $0xFFFFFFFF  }
0xc0: {  	_ =	task.clear_ibuf [dreg:s6], $0x2FFFF;
	_ =	strace $0x9FFFFFFF  }
0xc1: {  	(tm) =	ssettm $0x7FFFFFFF  }
tec
execute0_lowered:
.L_overlay_start_1:
0x0: {  	(tag) =	ssettag $0x1  }
0x1: {  	s0 =	stileid.u32  }
0x2: {  	s1 =	srdreg.scid;
	s2 =	sshll.u32 s0, $0x1  }
0x3: {  	s1 =	sand.u32 $0x1, s1;
	s25 =	sshrl.u32 s0, $0x3;
	s2 =	sand.u32 $0xE, s2  }
0x4: {  	s3 =	smul.u32 $0x61800, s25;
	s2 =	sor.u32 s1, s2  }
0x5: {  	s26 =	smul.u32 $0xC3800, s2;
	_ =	sdelay $0x1  }
0x6: {  	s4 =	rddreg [dreg:$0x0];
	s3 =	sadd.s32 s3, s26  }
0x7: {  	s28 =	sadd.s32 $0x400, s4;
	s2 =	simm.s32 $0x0;
	s23 =	sshrl.u32 s3, $0x3  }
0x8: {  	s30 =	sadd.s32 $0x187400, s4;
	[smem:$0x7FF] =	sst s2;
	s3 =	sadd.s32 s28, s23  }
0x9: {  	_ =	strace $0x80000047;
	s19 =	sadd.s32 s30, s23;
	[dreg:$0x2] =	wrdreg s3  }
0xa: {  	s6 =	sadd.s32 $0x1380, s23;
	[dreg:$0x3] =	wrdreg s19  }
0xb: {  	s21 =	sadd.s32 s28, s6;
	s20 =	rddreg [dreg:$0x2]  }
0xc: {  	s3 =	simm.s32 $0x1;
	[dreg:$0x4] =	wrdreg s21  }
0xd: {  	[tilespmem:s2], [sflag:$0x1] =	stream.linear.gather [hbm4b:s20+s2], $0x9C00, $0x38;
	[tilespmem:$0x14000] =	vst v63  }
0xe: {  	_ =	swait.ge [sflag:s3], $0x9C00  }
0xf: {  	[sflag:s3] =	ssyncset.done $0x0  }
0x10: {  	s22 =	rddreg [dreg:$0x3];
	[sflag:s3] =	ssyncadd.s32 $0xFFFF6400  }
0x11: {  	[hbm4b:s22+s2] =	stream.linear.scatter [tilespmem:s2], [sflag:$0x3], $0x9C00, $0x38;
	[tilespmem:$0x14000] =	vst v63  }
0x12: {  	s5 =	simm.s32 $0x2;
	s4 =	simm.s32 $0x9C00;
	s7 =	rddreg [dreg:$0x4]  }
0x13: {  	[tilespmem:s4], [sflag:$0x2] =	stream.linear.gather [hbm4b:s7+s2], $0x9C00, $0x38;
	[tilespmem:$0x14000] =	vst v63  }
0x14: {  	_ =	swait.ge [sflag:s5], $0x9C00  }
0x15: {  	s24 =	sadd.s32 s30, s6;
	[sflag:s5] =	ssyncset.done $0x0  }
0x16: {  	s7 =	simm.s32 $0x3;
	[dreg:$0x5] =	wrdreg s24;
	[sflag:s5] =	ssyncadd.s32 $0xFFFF6400  }
0x17: {  	[hbm4b:s24+s2] =	stream.linear.scatter [tilespmem:s4], [sflag:$0x4], $0x9C00, $0x38;
	[tilespmem:$0x14000] =	vst v63  }
0x18: {  	_ =	swait.ge [sflag:s7], $0x9C00  }
0x19: {  	s9 =	sadd.s32 $0x2700, s23;
	[sflag:s7] =	ssyncset.done $0x0  }
0x1a: {  	s8 =	sadd.s32 s28, s9;
	[sflag:s7] =	ssyncadd.s32 $0xFFFF6400  }
0x1b: {  	[tilespmem:s2], [sflag:$0x1] =	stream.linear.gather [hbm4b:s8+s2], $0x9C00, $0x38;
	[tilespmem:$0x14000] =	vst v63  }
0x1c: {  	_ =	swait.ge [sflag:s3], $0x9C00  }
0x1d: {  	[sflag:s3] =	ssyncset.done $0x0  }
0x1e: {  	s10 =	simm.s32 $0x4;
	s9 =	sadd.s32 s30, s9;
	[sflag:s3] =	ssyncadd.s32 $0xFFFF6400  }
0x1f: {  	[hbm4b:s9+s2] =	stream.linear.scatter [tilespmem:s2], [sflag:$0x3], $0x9C00, $0x38;
	[tilespmem:$0x14000] =	vst v63  }
0x20: {  	_ =	swait.ge [sflag:s10], $0x9C00  }
0x21: {  	s12 =	sadd.s32 $0x3A80, s23;
	[sflag:s10] =	ssyncset.done $0x0  }
0x22: {  	s11 =	sadd.s32 s28, s12;
	[sflag:s10] =	ssyncadd.s32 $0xFFFF6400  }
0x23: {  	[tilespmem:s4], [sflag:$0x2] =	stream.linear.gather [hbm4b:s11+s2], $0x9C00, $0x38;
	[tilespmem:$0x14000] =	vst v63  }
0x24: {  	_ =	swait.ge [sflag:s5], $0x9C00  }
0x25: {  	[sflag:s5] =	ssyncset.done $0x0  }
0x26: {  	s12 =	sadd.s32 s30, s12;
	[sflag:s5] =	ssyncadd.s32 $0xFFFF6400  }
0x27: {  	[hbm4b:s12+s2] =	stream.linear.scatter [tilespmem:s4], [sflag:$0x4], $0x9C00, $0x38;
	[tilespmem:$0x14000] =	vst v63  }
0x28: {  	_ =	swait.ge [sflag:s7], $0x9C00  }
0x29: {  	s14 =	sadd.s32 $0x4E00, s23;
	[sflag:s7] =	ssyncset.done $0x0  }
0x2a: {  	s13 =	sadd.s32 s28, s14;
	[sflag:s7] =	ssyncadd.s32 $0xFFFF6400  }
0x2b: {  	[tilespmem:s2], [sflag:$0x1] =	stream.linear.gather [hbm4b:s13+s2], $0x9C00, $0x38;
	[tilespmem:$0x14000] =	vst v63  }
0x2c: {  	_ =	swait.ge [sflag:s3], $0x9C00  }
0x2d: {  	[sflag:s3] =	ssyncset.done $0x0  }
0x2e: {  	s14 =	sadd.s32 s30, s14;
	[sflag:s3] =	ssyncadd.s32 $0xFFFF6400  }
0x2f: {  	[hbm4b:s14+s2] =	stream.linear.scatter [tilespmem:s2], [sflag:$0x3], $0x9C00, $0x38;
	[tilespmem:$0x14000] =	vst v63  }
0x30: {  	_ =	swait.ge [sflag:s10], $0x9C00  }
0x31: {  	s16 =	sadd.s32 $0x6180, s23;
	[sflag:s10] =	ssyncset.done $0x0  }
0x32: {  	s15 =	sadd.s32 s28, s16;
	[sflag:s10] =	ssyncadd.s32 $0xFFFF6400  }
0x33: {  	[tilespmem:s4], [sflag:$0x2] =	stream.linear.gather [hbm4b:s15+s2], $0x9C00, $0x38;
	[tilespmem:$0x14000] =	vst v63  }
0x34: {  	_ =	swait.ge [sflag:s5], $0x9C00  }
0x35: {  	[sflag:s5] =	ssyncset.done $0x0  }
0x36: {  	s16 =	sadd.s32 s30, s16;
	[sflag:s5] =	ssyncadd.s32 $0xFFFF6400  }
0x37: {  	[hbm4b:s16+s2] =	stream.linear.scatter [tilespmem:s4], [sflag:$0x4], $0x9C00, $0x38;
	[tilespmem:$0x14000] =	vst v63  }
0x38: {  	_ =	swait.ge [sflag:s7], $0x9C00  }
0x39: {  	s18 =	sadd.s32 $0x7500, s23;
	[sflag:s7] =	ssyncset.done $0x0  }
0x3a: {  	s17 =	sadd.s32 s28, s18;
	[sflag:s7] =	ssyncadd.s32 $0xFFFF6400  }
0x3b: {  	[tilespmem:s2], [sflag:$0x1] =	stream.linear.gather [hbm4b:s17+s2], $0x9C00, $0x38;
	[tilespmem:$0x14000] =	vst v63  }
0x3c: {  	_ =	swait.ge [sflag:s3], $0x9C00  }
0x3d: {  	[sflag:s3] =	ssyncset.done $0x0  }
0x3e: {  	s18 =	sadd.s32 s30, s18;
	[sflag:s3] =	ssyncadd.s32 $0xFFFF6400  }
0x3f: {  	[hbm4b:s18+s2] =	stream.linear.scatter [tilespmem:s2], [sflag:$0x3], $0x9C00, $0x38;
	[tilespmem:$0x14000] =	vst v63  }
0x40: {  	_ =	swait.ge [sflag:s10], $0x9C00  }
0x41: {  	s20 =	sadd.s32 $0x8880, s23;
	[sflag:s10] =	ssyncset.done $0x0  }
0x42: {  	s19 =	sadd.s32 s28, s20;
	[sflag:s10] =	ssyncadd.s32 $0xFFFF6400  }
0x43: {  	[tilespmem:s4], [sflag:$0x2] =	stream.linear.gather [hbm4b:s19+s2], $0x9C00, $0x38;
	[tilespmem:$0x14000] =	vst v63  }
0x44: {  	_ =	swait.ge [sflag:s5], $0x9C00  }
0x45: {  	[sflag:s5] =	ssyncset.done $0x0  }
0x46: {  	s20 =	sadd.s32 s30, s20;
	[sflag:s5] =	ssyncadd.s32 $0xFFFF6400  }
0x47: {  	[hbm4b:s20+s2] =	stream.linear.scatter [tilespmem:s4], [sflag:$0x4], $0x9C00, $0x38;
	[tilespmem:$0x14000] =	vst v63  }
0x48: {  	_ =	swait.ge [sflag:s7], $0x9C00  }
0x49: {  	s22 =	sadd.s32 $0x9C00, s23;
	[sflag:s7] =	ssyncset.done $0x0  }
0x4a: {  	s21 =	sadd.s32 s28, s22;
	[sflag:s7] =	ssyncadd.s32 $0xFFFF6400  }
0x4b: {  	[tilespmem:s2], [sflag:$0x1] =	stream.linear.gather [hbm4b:s21+s2], $0x9C00, $0x38;
	[tilespmem:$0x14000] =	vst v63  }
0x4c: {  	_ =	swait.ge [sflag:s3], $0x9C00  }
0x4d: {  	[sflag:s3] =	ssyncset.done $0x0  }
0x4e: {  	s22 =	sadd.s32 s30, s22;
	[sflag:s3] =	ssyncadd.s32 $0xFFFF6400  }
0x4f: {  	[hbm4b:s22+s2] =	stream.linear.scatter [tilespmem:s2], [sflag:$0x3], $0x9C00, $0x38;
	[tilespmem:$0x14000] =	vst v63  }
0x50: {  	_ =	swait.ge [sflag:s10], $0x9C00  }
0x51: {  	s24 =	sadd.s32 $0xAF80, s23;
	[sflag:s10] =	ssyncset.done $0x0  }
0x52: {  	s23 =	sadd.s32 s28, s24;
	[sflag:s10] =	ssyncadd.s32 $0xFFFF6400  }
0x53: {  	[tilespmem:s4], [sflag:$0x2] =	stream.linear.gather [hbm4b:s23+s2], $0x9C00, $0x38;
	[tilespmem:$0x14000] =	vst v63  }
0x54: {  	_ =	swait.ge [sflag:s5], $0x9C00  }
0x55: {  	[sflag:s5] =	ssyncset.done $0x0  }
0x56: {  	p0 =	seq.s32 s25, $0x0;
	s24 =	sadd.s32 s30, s24;
	[sflag:s5] =	ssyncadd.s32 $0xFFFF6400  }
0x57: {  	[hbm4b:s24+s2] =	stream.linear.scatter [tilespmem:s4], [sflag:$0x4], $0x9C00, $0x38;
	[tilespmem:$0x14000] =	vst v63  }
0x58: {  	s1 =	ssub.s32 $0x2, s1;
	s29 =	simm.s32 @!p0 $0x1;
	_ =	swait.ge [sflag:s7], $0x9C00  }
0x59: {  	s26 =	sshrl.u32 s26, $0x3;
	s6 =	sshrl.u32 s1, $0x1;
	[sflag:s7] =	ssyncset.done $0x0  }
0x5a: {  	s31 =	sadd.s32 $0x18600, s26;
	s0 =	ssub.s32 s1, s6;
	[sflag:s7] =	ssyncadd.s32 $0xFFFF6400  }
0x5b: {  	s26 =	simm.s32 @!p0 $0x0;
	s0 =	smax.u32 s0, $0x1;
	_ =	swait.ge [sflag:s10], $0x9C00  }
0x5c: {  	s25 =	sadd.s32 s28, s31;
	s1 =	sadd.s32 $0xFFFFFFFF, s0;
	[sflag:s10] =	ssyncset.done $0x0  }
0x5d: {  	p1 =	sne.s32 s1, $0x0;
	s28 =	simm.s32 @!p0 $0x13800;
	[sflag:s10] =	ssyncadd.s32 $0xFFFF6400  }
0x5e: {  	[tilespmem:s28], [sflag:$0x1] =	stream.linear.gather @!p0 [hbm4b:s25+s26], $0x800, $0x38;
	[tilespmem:$0x14000] =	vst v63  }
.Ltmp0:
0x5f: {  	_ =	swait.ge @!p0 [sflag:s29], $0x800;
	(pc) =	sbr.rel @!p1 .LBB2_2-.Ltmp0, $4  }
0x60: {  	[sflag:s29] =	ssyncset.done @!p0 $0x0  }
0x61: {  	s31 =	sadd.s32 s30, s31;
	s30 =	simm.s32 @!p0 $0x3;
	[sflag:s29] =	ssyncadd.s32 @!p0 $0xFFFFF800  }
0x62: {  	[hbm4b:s31+s26] =	stream.linear.scatter @!p0 [tilespmem:s28], [sflag:$0x3], $0x800, $0x38;
	[tilespmem:$0x14000] =	vst v63  }
0x63: {  	_ =	swait.ge @!p0 [sflag:s30], $0x800  }
.LBB2_1:
0x64: {  	[sflag:s30] =	ssyncset.done @!p0 $0x0  }
0x65: {  	s0 =	rddreg [dreg:$0x2];
	[sflag:s30] =	ssyncadd.s32 @!p0 $0xFFFFF800  }
0x66: {  	[tilespmem:s2], [sflag:$0x1] =	stream.linear.gather [hbm4b:s0+s2], $0x9C00, $0x38;
	[tilespmem:$0x14000] =	vst v63  }
0x67: {  	_ =	swait.ge [sflag:s3], $0x9C00  }
0x68: {  	[sflag:s3] =	ssyncset.done $0x0  }
0x69: {  	s0 =	rddreg [dreg:$0x3];
	[sflag:s3] =	ssyncadd.s32 $0xFFFF6400  }
0x6a: {  	[hbm4b:s0+s2] =	stream.linear.scatter [tilespmem:s2], [sflag:$0x3], $0x9C00, $0x38;
	[tilespmem:$0x14000] =	vst v63  }
0x6b: {  	s6 =	rddreg [dreg:$0x4]  }
0x6c: {  	[tilespmem:s4], [sflag:$0x2] =	stream.linear.gather [hbm4b:s6+s2], $0x9C00, $0x38;
	[tilespmem:$0x14000] =	vst v63  }
0x6d: {  	_ =	swait.ge [sflag:s5], $0x9C00  }
0x6e: {  	[sflag:s5] =	ssyncset.done $0x0  }
0x6f: {  	s6 =	rddreg [dreg:$0x5];
	[sflag:s5] =	ssyncadd.s32 $0xFFFF6400  }
0x70: {  	[hbm4b:s6+s2] =	stream.linear.scatter [tilespmem:s4], [sflag:$0x4], $0x9C00, $0x38;
	[tilespmem:$0x14000] =	vst v63  }
0x71: {  	_ =	swait.ge [sflag:s7], $0x9C00  }
0x72: {  	[sflag:s7] =	ssyncset.done $0x0  }
0x73: {  	[sflag:s7] =	ssyncadd.s32 $0xFFFF6400  }
0x74: {  	[tilespmem:s2], [sflag:$0x1] =	stream.linear.gather [hbm4b:s8+s2], $0x9C00, $0x38;
	[tilespmem:$0x14000] =	vst v63  }
0x75: {  	_ =	swait.ge [sflag:s3], $0x9C00  }
0x76: {  	[sflag:s3] =	ssyncset.done $0x0  }
0x77: {  	[sflag:s3] =	ssyncadd.s32 $0xFFFF6400  }
0x78: {  	[hbm4b:s9+s2] =	stream.linear.scatter [tilespmem:s2], [sflag:$0x3], $0x9C00, $0x38;
	[tilespmem:$0x14000] =	vst v63  }
0x79: {  	_ =	swait.ge [sflag:s10], $0x9C00  }
0x7a: {  	[sflag:s10] =	ssyncset.done $0x0  }
0x7b: {  	[sflag:s10] =	ssyncadd.s32 $0xFFFF6400  }
0x7c: {  	[tilespmem:s4], [sflag:$0x2] =	stream.linear.gather [hbm4b:s11+s2], $0x9C00, $0x38;
	[tilespmem:$0x14000] =	vst v63  }
0x7d: {  	_ =	swait.ge [sflag:s5], $0x9C00  }
0x7e: {  	[sflag:s5] =	ssyncset.done $0x0  }
0x7f: {  	[sflag:s5] =	ssyncadd.s32 $0xFFFF6400  }
0x80: {  	[hbm4b:s12+s2] =	stream.linear.scatter [tilespmem:s4], [sflag:$0x4], $0x9C00, $0x38;
	[tilespmem:$0x14000] =	vst v63  }
0x81: {  	_ =	swait.ge [sflag:s7], $0x9C00  }
0x82: {  	[sflag:s7] =	ssyncset.done $0x0  }
0x83: {  	[sflag:s7] =	ssyncadd.s32 $0xFFFF6400  }
0x84: {  	[tilespmem:s2], [sflag:$0x1] =	stream.linear.gather [hbm4b:s13+s2], $0x9C00, $0x38;
	[tilespmem:$0x14000] =	vst v63  }
0x85: {  	_ =	swait.ge [sflag:s3], $0x9C00  }
0x86: {  	[sflag:s3] =	ssyncset.done $0x0  }
0x87: {  	[sflag:s3] =	ssyncadd.s32 $0xFFFF6400  }
0x88: {  	[hbm4b:s14+s2] =	stream.linear.scatter [tilespmem:s2], [sflag:$0x3], $0x9C00, $0x38;
	[tilespmem:$0x14000] =	vst v63  }
0x89: {  	_ =	swait.ge [sflag:s10], $0x9C00  }
0x8a: {  	[sflag:s10] =	ssyncset.done $0x0  }
0x8b: {  	[sflag:s10] =	ssyncadd.s32 $0xFFFF6400  }
0x8c: {  	[tilespmem:s4], [sflag:$0x2] =	stream.linear.gather [hbm4b:s15+s2], $0x9C00, $0x38;
	[tilespmem:$0x14000] =	vst v63  }
0x8d: {  	_ =	swait.ge [sflag:s5], $0x9C00  }
0x8e: {  	[sflag:s5] =	ssyncset.done $0x0  }
0x8f: {  	[sflag:s5] =	ssyncadd.s32 $0xFFFF6400  }
0x90: {  	[hbm4b:s16+s2] =	stream.linear.scatter [tilespmem:s4], [sflag:$0x4], $0x9C00, $0x38;
	[tilespmem:$0x14000] =	vst v63  }
0x91: {  	_ =	swait.ge [sflag:s7], $0x9C00  }
0x92: {  	[sflag:s7] =	ssyncset.done $0x0  }
0x93: {  	[sflag:s7] =	ssyncadd.s32 $0xFFFF6400  }
0x94: {  	[tilespmem:s2], [sflag:$0x1] =	stream.linear.gather [hbm4b:s17+s2], $0x9C00, $0x38;
	[tilespmem:$0x14000] =	vst v63  }
0x95: {  	_ =	swait.ge [sflag:s3], $0x9C00  }
0x96: {  	[sflag:s3] =	ssyncset.done $0x0  }
0x97: {  	[sflag:s3] =	ssyncadd.s32 $0xFFFF6400  }
0x98: {  	[hbm4b:s18+s2] =	stream.linear.scatter [tilespmem:s2], [sflag:$0x3], $0x9C00, $0x38;
	[tilespmem:$0x14000] =	vst v63  }
0x99: {  	_ =	swait.ge [sflag:s10], $0x9C00  }
0x9a: {  	[sflag:s10] =	ssyncset.done $0x0  }
0x9b: {  	[sflag:s10] =	ssyncadd.s32 $0xFFFF6400  }
0x9c: {  	[tilespmem:s4], [sflag:$0x2] =	stream.linear.gather [hbm4b:s19+s2], $0x9C00, $0x38;
	[tilespmem:$0x14000] =	vst v63  }
0x9d: {  	_ =	swait.ge [sflag:s5], $0x9C00  }
0x9e: {  	[sflag:s5] =	ssyncset.done $0x0  }
0x9f: {  	[sflag:s5] =	ssyncadd.s32 $0xFFFF6400  }
0xa0: {  	[hbm4b:s20+s2] =	stream.linear.scatter [tilespmem:s4], [sflag:$0x4], $0x9C00, $0x38;
	[tilespmem:$0x14000] =	vst v63  }
0xa1: {  	_ =	swait.ge [sflag:s7], $0x9C00  }
0xa2: {  	[sflag:s7] =	ssyncset.done $0x0  }
0xa3: {  	[sflag:s7] =	ssyncadd.s32 $0xFFFF6400  }
0xa4: {  	[tilespmem:s2], [sflag:$0x1] =	stream.linear.gather [hbm4b:s21+s2], $0x9C00, $0x38;
	[tilespmem:$0x14000] =	vst v63  }
0xa5: {  	_ =	swait.ge [sflag:s3], $0x9C00  }
0xa6: {  	[sflag:s3] =	ssyncset.done $0x0  }
0xa7: {  	[sflag:s3] =	ssyncadd.s32 $0xFFFF6400  }
0xa8: {  	[hbm4b:s22+s2] =	stream.linear.scatter [tilespmem:s2], [sflag:$0x3], $0x9C00, $0x38;
	[tilespmem:$0x14000] =	vst v63  }
0xa9: {  	_ =	swait.ge [sflag:s10], $0x9C00  }
0xaa: {  	[sflag:s10] =	ssyncset.done $0x0  }
0xab: {  	[sflag:s10] =	ssyncadd.s32 $0xFFFF6400  }
0xac: {  	[tilespmem:s4], [sflag:$0x2] =	stream.linear.gather [hbm4b:s23+s2], $0x9C00, $0x38;
	[tilespmem:$0x14000] =	vst v63  }
0xad: {  	_ =	swait.ge [sflag:s5], $0x9C00  }
0xae: {  	[sflag:s5] =	ssyncset.done $0x0  }
0xaf: {  	[sflag:s5] =	ssyncadd.s32 $0xFFFF6400  }
0xb0: {  	[hbm4b:s24+s2] =	stream.linear.scatter [tilespmem:s4], [sflag:$0x4], $0x9C00, $0x38;
	[tilespmem:$0x14000] =	vst v63  }
0xb1: {  	_ =	swait.ge [sflag:s7], $0x9C00  }
0xb2: {  	[sflag:s7] =	ssyncset.done $0x0  }
0xb3: {  	[sflag:s7] =	ssyncadd.s32 $0xFFFF6400  }
0xb4: {  	_ =	swait.ge [sflag:s10], $0x9C00  }
0xb5: {  	s1 =	sadd.s32 $0xFFFFFFFF, s1;
	[sflag:s10] =	ssyncset.done $0x0  }
0xb6: {  	p1 =	sne.s32 s1, $0x0;
	[sflag:s10] =	ssyncadd.s32 $0xFFFF6400  }
0xb7: {  	[tilespmem:s28], [sflag:$0x1] =	stream.linear.gather @!p0 [hbm4b:s25+s26], $0x800, $0x38;
	[tilespmem:$0x14000] =	vst v63  }
.Ltmp1:
0xb8: {  	_ =	swait.ge @!p0 [sflag:s29], $0x800;
	(pc) =	sbr.rel @p1 .LBB2_1-.Ltmp1, $4  }
0xb9: {  	[sflag:s29] =	ssyncset.done @!p0 $0x0  }
0xba: {  	[sflag:s29] =	ssyncadd.s32 @!p0 $0xFFFFF800  }
0xbb: {  	[hbm4b:s31+s26] =	stream.linear.scatter @!p0 [tilespmem:s28], [sflag:$0x3], $0x800, $0x38;
	[tilespmem:$0x14000] =	vst v63  }
0xbc: {  	_ =	swait.ge @!p0 [sflag:s30], $0x800  }
.LBB2_2:
0xbd: {  	[sflag:s30] =	ssyncset.done @!p0 $0x0  }
0xbe: {  	[sflag:s30] =	ssyncadd.s32 @!p0 $0xFFFFF800  }
0xbf: {  	_ =	sfence.sel $0x180000  }
0xc0: {  	[bflag:$0x0] =	sbarrier.arrive $0xFFFF  }
0xc1: {  	_ =	strace $0x90000047  }
0xc2: {  	s0 =	stileid.u32;
	[bflag:$0x2] =	sbarrier.arrive $0xFFFF  }
0xc3: {  	p0 =	sne.s32 s0, $0x0;
	s0 =	rddreg [dreg:$0x1]  }
0xc4: {  	s0 =	sadd.s32 @!p0 $0x100000, s0  }
0xc5: {  	[sflag:s0] =	ssyncadd.tile.s32 @!p0 $0x1;
	_ =	shalt  }
.Lfunc_end2:
_tile_overlayer_lowered:
.L_overlay_start_2:
0xc6: {  	(tag) =	ssettag $0x2  }
0xc7: {  	s0 =	rddreg [dreg:$0x0];
	s2 =	stileid.u32  }
0xc8: {  	s1 =	rddreg [dreg:$0x1];
	p0 =	sne.s32 s2, $0x0  }
0xc9: {  	s3 =	rddreg [dreg:$0x2];
	[bflag:$0x3] =	sbarrier.arrive $0xFFFF;
	s2 =	simm.s32 @!p0 $0x1C05  }
0xca: {  	[timem:s3], [sflag:s2] =	dma.local @!p0 [hbm:s0], s1  }
0xcb: {  	s0 =	simm.s32 @!p0 $0x5  }
0xcc: {  	_ =	swait.ge @!p0 [sflag:s0], s1  }
0xcd: {  	s1 =	ssub.s32 @!p0 $0x0, s1;
	[sflag:s0] =	ssyncset.done @!p0 $0x0  }
0xce: {  	[sflag:s0] =	ssyncadd.s32 @!p0 s1  }
0xcf: {  	[bflag:$0x3] =	sbarrier.arrive $0xFFFF  }
0xd0: {  	_ =	shalt  }

</sc_bundles>
